<compile_context>
chip_gen: v7x
topology: tpu7x:2x2x1
jax: 0.10.2.dev20260603
libtpu: 0.0.44.dev20260713+nightly
codegen_flags: <defaults>
</compile_context>

<pallas_src>
import functools

import jax
import jax.numpy as jnp
from jax import lax
from jax.experimental import pallas as pl
from jax.experimental.pallas import tpu as pltpu
from jax.experimental.pallas import tpu_sc as plsc

B = 8
NV = 6890
R = 75
RP = 80
MV = 40
NR = R * MV
NRP = 3200
KF = 8
KA = 8

NW = 32
PER_W = NRP // 2
TOT = NW * PER_W

NRG = 16
RT = NRG * MV
NT = RP // NRG


VT = 3456
NVT = NW * VT
WPT = VT * 3


def _sc_build_table(vflat):
    mesh = plsc.VectorSubcoreMesh(core_axis_name="c", subcore_axis_name="s")

    @functools.partial(
        pl.kernel,
        out_type=jax.ShapeDtypeStruct((NVT, KF), jnp.float32),
        mesh=mesh,
        scratch_types=[
            pltpu.VMEM((WPT,), jnp.float32),
            pltpu.VMEM((VT, KF), jnp.float32),
        ],
        compiler_params=pltpu.CompilerParams(
            use_tc_tiling_on_sc=False, needs_layout_passes=False),
    )
    def table_kernel(vflat_hbm, table_hbm, wbuf, tbuf):
        wid = lax.axis_index("s") * 2 + lax.axis_index("c")
        pltpu.sync_copy(vflat_hbm.at[pl.ds(wid * WPT, WPT)], wbuf)
        lane = lax.iota(jnp.int32, 16)
        czero = jnp.zeros((16,), jnp.int32)
        fzero = jnp.zeros((16,), jnp.float32)

        def body(i, carry):
            rows = i * 16 + lane
            w0 = rows * 3
            for c in range(3):
                v = plsc.load_gather(wbuf, [w0 + c])
                plsc.store_scatter(tbuf, [rows, czero + c], v)
            for c in range(3, KF):
                plsc.store_scatter(tbuf, [rows, czero + c], fzero)
            return carry

        lax.fori_loop(0, VT // 16, body, 0)
        pltpu.sync_copy(tbuf, table_hbm.at[pl.ds(wid * VT, VT)])

    return table_kernel(vflat)


def _sc_gather(table, idx):
    mesh = plsc.VectorSubcoreMesh(core_axis_name="c", subcore_axis_name="s")

    @functools.partial(
        pl.kernel,
        out_type=jax.ShapeDtypeStruct((2, B, KA, NRP), jnp.float32),
        mesh=mesh,
        scratch_types=[
            pltpu.VMEM((PER_W,), jnp.int32),
            pltpu.VMEM((PER_W, KF), jnp.float32),
            pltpu.VMEM((KA, PER_W), jnp.float32),
            pltpu.SemaphoreType.DMA,
        ],
        compiler_params=pltpu.CompilerParams(
            use_tc_tiling_on_sc=False, needs_layout_passes=False),
    )
    def gather_kernel(table_hbm, idx_hbm, out_hbm, idx_v, rows_v, pla_v, sem):
        wid = lax.axis_index("s") * 2 + lax.axis_index("c")
        base = wid * PER_W
        pltpu.sync_copy(idx_hbm.at[pl.ds(base, PER_W)], idx_v)
        chunks = [(j, 128) for j in range(0, PER_W - 64, 128)]
        chunks.append((PER_W - 64, 64))
        for j, c in chunks:
            pltpu.async_copy(
                table_hbm.at[idx_v.at[pl.ds(j, c)]],
                rows_v.at[pl.ds(j, c)],
                sem,
            )
        for j, c in chunks:
            pltpu.make_async_copy(
                table_hbm.at[idx_v.at[pl.ds(j, c)]],
                rows_v.at[pl.ds(j, c)],
                sem,
            ).wait()

        lane = lax.iota(jnp.int32, 16)
        czero = jnp.zeros((16,), jnp.int32)
        fone = jnp.ones((16,), jnp.float32)
        fzero = jnp.zeros((16,), jnp.float32)

        def body(i, carry):
            r0 = i * 16
            rows = r0 + lane
            x = plsc.load_gather(rows_v, [rows, czero])
            y = plsc.load_gather(rows_v, [rows, czero + 1])
            z = plsc.load_gather(rows_v, [rows, czero + 2])
            pla_v[0, pl.ds(r0, 16)] = x
            pla_v[1, pl.ds(r0, 16)] = y
            pla_v[2, pl.ds(r0, 16)] = z
            pla_v[3, pl.ds(r0, 16)] = fone
            pla_v[4, pl.ds(r0, 16)] = x * x + y * y + z * z
            pla_v[5, pl.ds(r0, 16)] = fzero
            pla_v[6, pl.ds(r0, 16)] = fzero
            pla_v[7, pl.ds(r0, 16)] = fzero
            return carry

        lax.fori_loop(0, PER_W // 16, body, 0)

        side = wid // 16
        bat = (wid // 2) % B
        half = wid % 2
        pltpu.sync_copy(
            pla_v, out_hbm.at[side, bat, :, pl.ds(half * PER_W, PER_W)])

    return gather_kernel(table, idx)


def _dense_body(ga1, ga2, gf1, gf2, cm1, cm2, out, seg):
    b = pl.program_id(0)
    t = pl.program_id(1)

    @pl.when((b == 0) & (t == 0))
    def _build_seg():
        jr = lax.broadcasted_iota(jnp.int32, (NRP, R), 0) // MV
        hc = lax.broadcasted_iota(jnp.int32, (NRP, R), 1)
        seg[...] = (jr == hc).astype(jnp.float32)

    @pl.when(t == 0)
    def _init():
        out[...] = jnp.zeros_like(out)

    def half(a_ref, b_ref, cm):
        p = a_ref[0][0]
        aaug = jnp.concatenate(
            [-2.0 * p[:3, :], p[4:5, :], p[3:4, :],
             jnp.zeros((KA - 5, RT), jnp.float32)], axis=0)
        d2 = lax.dot_general(
            aaug, b_ref[0][0], (((0,), (0,)), ((), ())),
            preferred_element_type=jnp.float32)
        d2 = jnp.maximum(d2, 1e-12)
        cmin = jnp.min(d2.reshape(NRG, MV, NRP), axis=1)
        s = jnp.dot(cmin, seg[...], preferred_element_type=jnp.float32)
        mask = (cm[0] != 0.0).astype(jnp.float32)
        return jnp.sum(s * mask)

    contrib = half(ga1, gf2, cm1) + half(ga2, gf1, cm2)
    out[...] += contrib * (1.0 / MV)


def _dense_call(g, cm1, cm2):
    return pl.pallas_call(
        _dense_body,
        grid=(B, NT),
        in_specs=[
            pl.BlockSpec((1, 1, KA, RT), lambda b, t: (0, b, 0, t)),
            pl.BlockSpec((1, 1, KA, RT), lambda b, t: (1, b, 0, t)),
            pl.BlockSpec((1, 1, KA, NRP), lambda b, t: (0, b, 0, 0)),
            pl.BlockSpec((1, 1, KA, NRP), lambda b, t: (1, b, 0, 0)),
            pl.BlockSpec((1, NRG, R), lambda b, t: (b * NT + t, 0, 0)),
            pl.BlockSpec((1, NRG, R), lambda b, t: (b * NT + t, 0, 0)),
        ],
        out_specs=pl.BlockSpec((1, 1, 128), lambda b, t: (b, 0, 0)),
        out_shape=jax.ShapeDtypeStruct((B, 1, 128), jnp.float32),
        scratch_shapes=[
            pltpu.VMEM((NRP, R), jnp.float32),
        ],
        compiler_params=pltpu.CompilerParams(
            dimension_semantics=("arbitrary", "arbitrary")),
    )(g, g, g, g, cm1, cm2)


def kernel(v1, v2, cmap, rid_to_vid_list):
    f32 = jnp.float32
    v1 = v1.astype(f32)
    v2 = v2.astype(f32)

    vflat = jnp.stack([v1, v2]).reshape(-1)
    vflat = jnp.pad(vflat, (0, NVT * 3 - vflat.shape[0]))
    t = _sc_build_table(vflat)

    rid = rid_to_vid_list.reshape(-1).astype(jnp.int32)
    rid = jnp.pad(rid, (0, NRP - NR))
    boff = (jnp.arange(B, dtype=jnp.int32) * NV)[None, :, None]
    soff = (jnp.arange(2, dtype=jnp.int32) * (B * NV))[:, None, None]
    idx = (rid[None, None, :] + boff + soff).reshape(-1)

    g = _sc_gather(t, idx)

    cmf = cmap.astype(f32)
    cm1 = jnp.pad(cmf, ((0, 0), (0, RP - R), (0, 0))).reshape(B * NT, NRG, R)
    cm2 = jnp.pad(cmf.transpose(0, 2, 1),
                  ((0, 0), (0, RP - R), (0, 0))).reshape(B * NT, NRG, R)

    out = _dense_call(g, cm1, cm2)
    return out[:, 0, 0]

# --- scband reference (transcript-rebuilt; emitter-appended) ---
"""Pipeline reference for scband-contact-map-loss-47519518163566 (READ-ONLY COPY).

The authoritative reference and input builder live on the scoring server;
editing this copy changes nothing except your own understanding.
"""

import jax, jax.numpy as jnp
import numpy as np

BATCH = 8
NUM_VERTS = 6890
NUM_REGIONS = 75
MAX_VERTS = 40


def pcl_pcl_pairwise_distance(x, y, squared=False):
    # x: [N, P1, 3], y: [N, P2, 3] -> [N, P1, P2]
    xx = jnp.sum(x * x, axis=2)
    yy = jnp.sum(y * y, axis=2)
    xy = jnp.einsum('npd,nqd->npq', x, y)
    d2 = xx[:, :, None] + yy[:, None, :] - 2.0 * xy
    d2 = jnp.maximum(d2, 1e-12)
    if squared:
        return d2
    return jnp.sqrt(d2)


def setup_inputs(seed: int = 0) -> dict:
    key = jax.random.key(seed)
    k1, k2, k3 = jax.random.split(key, 3)
    v1 = jax.random.normal(k1, (BATCH, NUM_VERTS, 3), dtype=jnp.float32)
    v2 = jax.random.normal(k2, (BATCH, NUM_VERTS, 3), dtype=jnp.float32)
    cmap = jnp.ones((BATCH, NUM_REGIONS, NUM_REGIONS), dtype=jnp.float32)
    # buffer rid_to_vid_list: 40 sampled vertex ids per region (stand-in for the pickle)
    rid_to_vid_list = jax.random.randint(k3, (NUM_REGIONS, MAX_VERTS), 0, NUM_VERTS, dtype=jnp.int32)
    return {"v1": v1, "v2": v2, "cmap": cmap, "rid_to_vid_list": rid_to_vid_list}


def reference(v1, v2, cmap, rid_to_vid_list):
    factor = 1.0
    batch_size = cmap.shape[0]
    r1_dim = cmap.shape[1]
    r2_dim = cmap.shape[2]
    num_pairs = batch_size * r1_dim * r2_dim
    if num_pairs == 0:
        return jnp.zeros((batch_size,), dtype=jnp.float32)
    batch_idx, h1_map, h2_map = [g.reshape(-1) for g in jnp.indices((batch_size, r1_dim, r2_dim), dtype=jnp.int32)]
    pair_mask = (cmap.reshape(-1) != 0)
    m = rid_to_vid_list.shape[1]
    batch_idxs = jnp.repeat(batch_idx[:, None], m, axis=1).reshape(-1)
    r1_vid = rid_to_vid_list[h1_map].reshape(-1)
    r2_vid = rid_to_vid_list[h2_map].reshape(-1)
    v1r1 = v1[batch_idxs, r1_vid, :].reshape(num_pairs, m, 3)
    v2r2 = v2[batch_idxs, r2_vid, :].reshape(num_pairs, m, 3)
    dist = pcl_pcl_pairwise_distance(v1r1, v2r2, squared=False)
    v1r1_to_v2r2 = jnp.min(dist, axis=1)  # min over dim 1
    v2r2_to_v1r1 = jnp.min(dist, axis=2)  # min over dim 2
    region_dist_loss = ((factor * v1r1_to_v2r2) ** 2).mean(axis=1) + ((factor * v2r2_to_v1r1) ** 2).mean(axis=1)
    region_dist_loss = region_dist_loss * pair_mask.astype(region_dist_loss.dtype)
    distance = jax.ops.segment_sum(region_dist_loss, batch_idx, num_segments=batch_size)
    return distance

if __name__ == "__main__":
    import jax
    _d = setup_inputs()
    print(jax.jit(kernel)(*tuple(_d.values())))

</pallas_src>

<mosaic_0001>
#map = affine_map<(d0, d1) -> (0)>
#map1 = affine_map<(d0, d1) -> (0, 0)>
module attributes {stable_mosaic.version = 14 : i64} {
  func.func @table_kernel(%arg0: i32, %arg1: i32, %arg2: memref<331776xf32, #tpu.memory_space<hbm>>, %arg3: memref<110592x8xf32, #tpu.memory_space<hbm>>, %arg4: memref<10368xf32, #tpu.memory_space<vmem>>, %arg5: memref<3456x8xf32, #tpu.memory_space<vmem>>) attributes {dimension_semantics = [#tpu.dimension_semantics<core_parallel>, #tpu.dimension_semantics<subcore_parallel>], iteration_bounds = array<i64: 2, 16>, scalar_prefetch = 0 : i64, scratch_operands = 2 : i64, tpu.core_type = #tpu.core_type<sc_vector_subcore>, window_params = [{transform_indices = #map}, {transform_indices = #map1}]} {
    %mul3A = arith.constant 2 : i32
    %mul3A_0 = arith.muli %arg1, %mul3A : i32
    %add3A = arith.addi %mul3A_0, %arg0 : i32
    %mul3A_1 = arith.constant 10368 : i32
    %mul3A_2 = arith.muli %add3A, %mul3A_1 : i32
    "tpu.region"() ({
      %run_scoped3A = tpu.sem_alloc : memref<!tpu.dma_semaphore, #tpu.memory_space<semaphore_mem>>
      %dma_start3A = tpu.memref_slice %arg2[%mul3A_2] : memref<331776xf32, #tpu.memory_space<hbm>> -> memref<10368xf32, #tpu.memory_space<hbm>>
      %dma_start3A_13 = tpu.memref_slice %arg2[%mul3A_2] : memref<331776xf32, #tpu.memory_space<hbm>> -> memref<10368xf32, #tpu.memory_space<hbm>>
      tpu.enqueue_dma source(%dma_start3A_13 : memref<10368xf32, #tpu.memory_space<hbm>>) target(%arg4 : memref<10368xf32, #tpu.memory_space<vmem>>) target_semaphore(%run_scoped3A : memref<!tpu.dma_semaphore, #tpu.memory_space<semaphore_mem>>)
      %dma_wait3A = tpu.memref_slice %arg2[%mul3A_2] : memref<331776xf32, #tpu.memory_space<hbm>> -> memref<10368xf32, #tpu.memory_space<hbm>>
      %dma_wait3A_14 = tpu.memref_slice %arg2[%mul3A_2] : memref<331776xf32, #tpu.memory_space<hbm>> -> memref<10368xf32, #tpu.memory_space<hbm>>
      tpu.wait_dma2 semaphore(%run_scoped3A : memref<!tpu.dma_semaphore, #tpu.memory_space<semaphore_mem>>) src(%dma_wait3A_14 : memref<10368xf32, #tpu.memory_space<hbm>>) dst(%arg4 : memref<10368xf32, #tpu.memory_space<vmem>>)
      tpu.yield
    }) : () -> ()
    %iota3A = tpu.iota {dimensions = array<i32: 0>} : vector<16xi32>
    %broadcast_in_dim3A = arith.constant 0 : i32
    %broadcast_in_dim3A_3 = vector.broadcast %broadcast_in_dim3A : i32 to vector<16xi32>
    %broadcast_in_dim3A_4 = arith.constant 0.000000e+00 : f32
    %broadcast_in_dim3A_5 = vector.broadcast %broadcast_in_dim3A_4 : f32 to vector<16xf32>
    %scan3A = arith.constant 0 : i32
    %scan3A_6 = arith.constant 0 : i32
    %scan3A_7 = arith.constant 216 : i32
    %scan3A_8 = arith.addi %scan3A_6, %scan3A_7 : i32
    %scan3A_9 = arith.constant 1 : i32
    scf.for %scan3A_13 = %scan3A_6 to %scan3A_8 step %scan3A_9  : i32 {
      %mul3A_14 = arith.constant 16 : i32
      %mul3A_15 = arith.muli %scan3A_13, %mul3A_14 : i32
      %add3A_16 = vector.broadcast %mul3A_15 : i32 to vector<16xi32>
      %add3A_17 = arith.addi %add3A_16, %iota3A : vector<16xi32>
      %mul3A_18 = arith.constant 3 : i32
      %mul3A_19 = vector.broadcast %mul3A_18 : i32 to vector<16xi32>
      %mul3A_20 = arith.muli %add3A_17, %mul3A_19 : vector<16xi32>
      %add3A_21 = arith.constant 0 : i32
      %add3A_22 = vector.broadcast %add3A_21 : i32 to vector<16xi32>
      %add3A_23 = arith.addi %mul3A_20, %add3A_22 : vector<16xi32>
      %gather3A = tpu.vector_load_idx %arg4[%add3A_23] : memref<10368xf32, #tpu.memory_space<vmem>>[vector<16xi32>], vector<16xf32>,
      %add3A_24 = arith.constant 0 : i32
      %add3A_25 = vector.broadcast %add3A_24 : i32 to vector<16xi32>
      %add3A_26 = arith.addi %broadcast_in_dim3A_3, %add3A_25 : vector<16xi32>
      tpu.vector_store_idx %arg5[%add3A_17, %add3A_26], %gather3A : memref<3456x8xf32, #tpu.memory_space<vmem>>[vector<16xi32>, vector<16xi32>], vector<16xf32>,
      %add3A_27 = arith.constant 1 : i32
      %add3A_28 = vector.broadcast %add3A_27 : i32 to vector<16xi32>
      %add3A_29 = arith.addi %mul3A_20, %add3A_28 : vector<16xi32>
      %gather3A_30 = tpu.vector_load_idx %arg4[%add3A_29] : memref<10368xf32, #tpu.memory_space<vmem>>[vector<16xi32>], vector<16xf32>,
      %add3A_31 = arith.constant 1 : i32
      %add3A_32 = vector.broadcast %add3A_31 : i32 to vector<16xi32>
      %add3A_33 = arith.addi %broadcast_in_dim3A_3, %add3A_32 : vector<16xi32>
      tpu.vector_store_idx %arg5[%add3A_17, %add3A_33], %gather3A_30 : memref<3456x8xf32, #tpu.memory_space<vmem>>[vector<16xi32>, vector<16xi32>], vector<16xf32>,
      %add3A_34 = arith.constant 2 : i32
      %add3A_35 = vector.broadcast %add3A_34 : i32 to vector<16xi32>
      %add3A_36 = arith.addi %mul3A_20, %add3A_35 : vector<16xi32>
      %gather3A_37 = tpu.vector_load_idx %arg4[%add3A_36] : memref<10368xf32, #tpu.memory_space<vmem>>[vector<16xi32>], vector<16xf32>,
      %add3A_38 = arith.constant 2 : i32
      %add3A_39 = vector.broadcast %add3A_38 : i32 to vector<16xi32>
      %add3A_40 = arith.addi %broadcast_in_dim3A_3, %add3A_39 : vector<16xi32>
      tpu.vector_store_idx %arg5[%add3A_17, %add3A_40], %gather3A_37 : memref<3456x8xf32, #tpu.memory_space<vmem>>[vector<16xi32>, vector<16xi32>], vector<16xf32>,
      %add3A_41 = arith.constant 3 : i32
      %add3A_42 = vector.broadcast %add3A_41 : i32 to vector<16xi32>
      %add3A_43 = arith.addi %broadcast_in_dim3A_3, %add3A_42 : vector<16xi32>
      tpu.vector_store_idx %arg5[%add3A_17, %add3A_43], %broadcast_in_dim3A_5 : memref<3456x8xf32, #tpu.memory_space<vmem>>[vector<16xi32>, vector<16xi32>], vector<16xf32>,
      %add3A_44 = arith.constant 4 : i32
      %add3A_45 = vector.broadcast %add3A_44 : i32 to vector<16xi32>
      %add3A_46 = arith.addi %broadcast_in_dim3A_3, %add3A_45 : vector<16xi32>
      tpu.vector_store_idx %arg5[%add3A_17, %add3A_46], %broadcast_in_dim3A_5 : memref<3456x8xf32, #tpu.memory_space<vmem>>[vector<16xi32>, vector<16xi32>], vector<16xf32>,
      %add3A_47 = arith.constant 5 : i32
      %add3A_48 = vector.broadcast %add3A_47 : i32 to vector<16xi32>
      %add3A_49 = arith.addi %broadcast_in_dim3A_3, %add3A_48 : vector<16xi32>
      tpu.vector_store_idx %arg5[%add3A_17, %add3A_49], %broadcast_in_dim3A_5 : memref<3456x8xf32, #tpu.memory_space<vmem>>[vector<16xi32>, vector<16xi32>], vector<16xf32>,
      %add3A_50 = arith.constant 6 : i32
      %add3A_51 = vector.broadcast %add3A_50 : i32 to vector<16xi32>
      %add3A_52 = arith.addi %broadcast_in_dim3A_3, %add3A_51 : vector<16xi32>
      tpu.vector_store_idx %arg5[%add3A_17, %add3A_52], %broadcast_in_dim3A_5 : memref<3456x8xf32, #tpu.memory_space<vmem>>[vector<16xi32>, vector<16xi32>], vector<16xf32>,
      %add3A_53 = arith.constant 7 : i32
      %add3A_54 = vector.broadcast %add3A_53 : i32 to vector<16xi32>
      %add3A_55 = arith.addi %broadcast_in_dim3A_3, %add3A_54 : vector<16xi32>
      tpu.vector_store_idx %arg5[%add3A_17, %add3A_55], %broadcast_in_dim3A_5 : memref<3456x8xf32, #tpu.memory_space<vmem>>[vector<16xi32>, vector<16xi32>], vector<16xf32>,
    }
    %scan3A_10 = arith.constant 216 : i32
    %mul3A_11 = arith.constant 3456 : i32
    %mul3A_12 = arith.muli %add3A, %mul3A_11 : i32
    "tpu.region"() ({
      %run_scoped3A = tpu.sem_alloc : memref<!tpu.dma_semaphore, #tpu.memory_space<semaphore_mem>>
      %dma_start3A = arith.constant 0 : i32
      %dma_start3A_13 = tpu.memref_slice %arg3[%mul3A_12, %dma_start3A] : memref<110592x8xf32, #tpu.memory_space<hbm>> -> memref<3456x8xf32, #tpu.memory_space<hbm>>
      %dma_start3A_14 = arith.constant 0 : i32
      %dma_start3A_15 = tpu.memref_slice %arg3[%mul3A_12, %dma_start3A_14] : memref<110592x8xf32, #tpu.memory_space<hbm>> -> memref<3456x8xf32, #tpu.memory_space<hbm>>
      tpu.enqueue_dma source(%arg5 : memref<3456x8xf32, #tpu.memory_space<vmem>>) target(%dma_start3A_15 : memref<3456x8xf32, #tpu.memory_space<hbm>>) target_semaphore(%run_scoped3A : memref<!tpu.dma_semaphore, #tpu.memory_space<semaphore_mem>>)
      %dma_wait3A = arith.constant 0 : i32
      %dma_wait3A_16 = tpu.memref_slice %arg3[%mul3A_12, %dma_wait3A] : memref<110592x8xf32, #tpu.memory_space<hbm>> -> memref<3456x8xf32, #tpu.memory_space<hbm>>
      %dma_wait3A_17 = arith.constant 0 : i32
      %dma_wait3A_18 = tpu.memref_slice %arg3[%mul3A_12, %dma_wait3A_17] : memref<110592x8xf32, #tpu.memory_space<hbm>> -> memref<3456x8xf32, #tpu.memory_space<hbm>>
      tpu.wait_dma2 semaphore(%run_scoped3A : memref<!tpu.dma_semaphore, #tpu.memory_space<semaphore_mem>>) src(%arg5 : memref<3456x8xf32, #tpu.memory_space<vmem>>) dst(%dma_wait3A_18 : memref<3456x8xf32, #tpu.memory_space<hbm>>)
      tpu.yield
    }) : () -> ()
    return
  }
}

#map = affine_map<(d0, d1) -> (0, 0)>
#map1 = affine_map<(d0, d1) -> (0)>
#map2 = affine_map<(d0, d1) -> (0, 0, 0, 0)>
module attributes {stable_mosaic.version = 14 : i64} {
  func.func @gather_kernel(%arg0: i32, %arg1: i32, %arg2: memref<110592x8xf32, #tpu.memory_space<hbm>>, %arg3: memref<51200xi32, #tpu.memory_space<hbm>>, %arg4: memref<2x8x8x3200xf32, #tpu.memory_space<hbm>>, %arg5: memref<1600xi32, #tpu.memory_space<vmem>>, %arg6: memref<1600x8xf32, #tpu.memory_space<vmem>>, %arg7: memref<8x1600xf32, #tpu.memory_space<vmem>>, %arg8: memref<!tpu.dma_semaphore, #tpu.memory_space<semaphore_mem>>) attributes {dimension_semantics = [#tpu.dimension_semantics<core_parallel>, #tpu.dimension_semantics<subcore_parallel>], iteration_bounds = array<i64: 2, 16>, scalar_prefetch = 0 : i64, scratch_operands = 4 : i64, tpu.core_type = #tpu.core_type<sc_vector_subcore>, window_params = [{transform_indices = #map}, {transform_indices = #map1}, {transform_indices = #map2}]} {
    %mul3A = arith.constant 2 : i32
    %mul3A_0 = arith.muli %arg1, %mul3A : i32
    %add3A = arith.addi %mul3A_0, %arg0 : i32
    %mul3A_1 = arith.constant 1600 : i32
    %mul3A_2 = arith.muli %add3A, %mul3A_1 : i32
    "tpu.region"() ({
      %run_scoped3A = tpu.sem_alloc : memref<!tpu.dma_semaphore, #tpu.memory_space<semaphore_mem>>
      %dma_start3A_291 = tpu.memref_slice %arg3[%mul3A_2] : memref<51200xi32, #tpu.memory_space<hbm>> -> memref<1600xi32, #tpu.memory_space<hbm>>
      %dma_start3A_292 = tpu.memref_slice %arg3[%mul3A_2] : memref<51200xi32, #tpu.memory_space<hbm>> -> memref<1600xi32, #tpu.memory_space<hbm>>
      tpu.enqueue_dma source(%dma_start3A_292 : memref<1600xi32, #tpu.memory_space<hbm>>) target(%arg5 : memref<1600xi32, #tpu.memory_space<vmem>>) target_semaphore(%run_scoped3A : memref<!tpu.dma_semaphore, #tpu.memory_space<semaphore_mem>>)
      %dma_wait3A_293 = tpu.memref_slice %arg3[%mul3A_2] : memref<51200xi32, #tpu.memory_space<hbm>> -> memref<1600xi32, #tpu.memory_space<hbm>>
      %dma_wait3A_294 = tpu.memref_slice %arg3[%mul3A_2] : memref<51200xi32, #tpu.memory_space<hbm>> -> memref<1600xi32, #tpu.memory_space<hbm>>
      tpu.wait_dma2 semaphore(%run_scoped3A : memref<!tpu.dma_semaphore, #tpu.memory_space<semaphore_mem>>) src(%dma_wait3A_294 : memref<1600xi32, #tpu.memory_space<hbm>>) dst(%arg5 : memref<1600xi32, #tpu.memory_space<vmem>>)
      tpu.yield
    }) : () -> ()
    %dma_start3A = arith.constant 0 : i32
    %dma_start3A_3 = arith.constant 0 : i32
    %dma_start3A_4 = tpu.memref_slice %arg6[%dma_start3A, %dma_start3A_3] : memref<1600x8xf32, #tpu.memory_space<vmem>> -> memref<128x8xf32, #tpu.memory_space<vmem>>
    %dma_start3A_5 = arith.constant 0 : i32
    %dma_start3A_6 = tpu.memref_slice %arg5[%dma_start3A_5] : memref<1600xi32, #tpu.memory_space<vmem>> -> memref<128xi32, #tpu.memory_space<vmem>>
    %dma_start3A_7 = arith.constant 0 : i32
    %dma_start3A_8 = arith.constant 0 : i32
    %dma_start3A_9 = tpu.memref_slice %arg2[%dma_start3A_7, %dma_start3A_8] : memref<110592x8xf32, #tpu.memory_space<hbm>> -> memref<110592x8xf32, #tpu.memory_space<hbm>>
    tpu.enqueue_indirect_dma source(%dma_start3A_9 : memref<110592x8xf32, #tpu.memory_space<hbm>>) target(%dma_start3A_4 : memref<128x8xf32, #tpu.memory_space<vmem>>) offsets(%dma_start3A_6 : memref<128xi32, #tpu.memory_space<vmem>>) semaphore(%arg8 : memref<!tpu.dma_semaphore, #tpu.memory_space<semaphore_mem>>)
    %dma_start3A_10 = arith.constant 128 : i32
    %dma_start3A_11 = arith.constant 0 : i32
    %dma_start3A_12 = tpu.memref_slice %arg6[%dma_start3A_10, %dma_start3A_11] : memref<1600x8xf32, #tpu.memory_space<vmem>> -> memref<128x8xf32, #tpu.memory_space<vmem>>
    %dma_start3A_13 = arith.constant 128 : i32
    %dma_start3A_14 = tpu.memref_slice %arg5[%dma_start3A_13] : memref<1600xi32, #tpu.memory_space<vmem>> -> memref<128xi32, #tpu.memory_space<vmem>>
    %dma_start3A_15 = arith.constant 0 : i32
    %dma_start3A_16 = arith.constant 0 : i32
    %dma_start3A_17 = tpu.memref_slice %arg2[%dma_start3A_15, %dma_start3A_16] : memref<110592x8xf32, #tpu.memory_space<hbm>> -> memref<110592x8xf32, #tpu.memory_space<hbm>>
    tpu.enqueue_indirect_dma source(%dma_start3A_17 : memref<110592x8xf32, #tpu.memory_space<hbm>>) target(%dma_start3A_12 : memref<128x8xf32, #tpu.memory_space<vmem>>) offsets(%dma_start3A_14 : memref<128xi32, #tpu.memory_space<vmem>>) semaphore(%arg8 : memref<!tpu.dma_semaphore, #tpu.memory_space<semaphore_mem>>)
    %dma_start3A_18 = arith.constant 256 : i32
    %dma_start3A_19 = arith.constant 0 : i32
    %dma_start3A_20 = tpu.memref_slice %arg6[%dma_start3A_18, %dma_start3A_19] : memref<1600x8xf32, #tpu.memory_space<vmem>> -> memref<128x8xf32, #tpu.memory_space<vmem>>
    %dma_start3A_21 = arith.constant 256 : i32
    %dma_start3A_22 = tpu.memref_slice %arg5[%dma_start3A_21] : memref<1600xi32, #tpu.memory_space<vmem>> -> memref<128xi32, #tpu.memory_space<vmem>>
    %dma_start3A_23 = arith.constant 0 : i32
    %dma_start3A_24 = arith.constant 0 : i32
    %dma_start3A_25 = tpu.memref_slice %arg2[%dma_start3A_23, %dma_start3A_24] : memref<110592x8xf32, #tpu.memory_space<hbm>> -> memref<110592x8xf32, #tpu.memory_space<hbm>>
    tpu.enqueue_indirect_dma source(%dma_start3A_25 : memref<110592x8xf32, #tpu.memory_space<hbm>>) target(%dma_start3A_20 : memref<128x8xf32, #tpu.memory_space<vmem>>) offsets(%dma_start3A_22 : memref<128xi32, #tpu.memory_space<vmem>>) semaphore(%arg8 : memref<!tpu.dma_semaphore, #tpu.memory_space<semaphore_mem>>)
    %dma_start3A_26 = arith.constant 384 : i32
    %dma_start3A_27 = arith.constant 0 : i32
    %dma_start3A_28 = tpu.memref_slice %arg6[%dma_start3A_26, %dma_start3A_27] : memref<1600x8xf32, #tpu.memory_space<vmem>> -> memref<128x8xf32, #tpu.memory_space<vmem>>
    %dma_start3A_29 = arith.constant 384 : i32
    %dma_start3A_30 = tpu.memref_slice %arg5[%dma_start3A_29] : memref<1600xi32, #tpu.memory_space<vmem>> -> memref<128xi32, #tpu.memory_space<vmem>>
    %dma_start3A_31 = arith.constant 0 : i32
    %dma_start3A_32 = arith.constant 0 : i32
    %dma_start3A_33 = tpu.memref_slice %arg2[%dma_start3A_31, %dma_start3A_32] : memref<110592x8xf32, #tpu.memory_space<hbm>> -> memref<110592x8xf32, #tpu.memory_space<hbm>>
    tpu.enqueue_indirect_dma source(%dma_start3A_33 : memref<110592x8xf32, #tpu.memory_space<hbm>>) target(%dma_start3A_28 : memref<128x8xf32, #tpu.memory_space<vmem>>) offsets(%dma_start3A_30 : memref<128xi32, #tpu.memory_space<vmem>>) semaphore(%arg8 : memref<!tpu.dma_semaphore, #tpu.memory_space<semaphore_mem>>)
    %dma_start3A_34 = arith.constant 512 : i32
    %dma_start3A_35 = arith.constant 0 : i32
    %dma_start3A_36 = tpu.memref_slice %arg6[%dma_start3A_34, %dma_start3A_35] : memref<1600x8xf32, #tpu.memory_space<vmem>> -> memref<128x8xf32, #tpu.memory_space<vmem>>
    %dma_start3A_37 = arith.constant 512 : i32
    %dma_start3A_38 = tpu.memref_slice %arg5[%dma_start3A_37] : memref<1600xi32, #tpu.memory_space<vmem>> -> memref<128xi32, #tpu.memory_space<vmem>>
    %dma_start3A_39 = arith.constant 0 : i32
    %dma_start3A_40 = arith.constant 0 : i32
    %dma_start3A_41 = tpu.memref_slice %arg2[%dma_start3A_39, %dma_start3A_40] : memref<110592x8xf32, #tpu.memory_space<hbm>> -> memref<110592x8xf32, #tpu.memory_space<hbm>>
    tpu.enqueue_indirect_dma source(%dma_start3A_41 : memref<110592x8xf32, #tpu.memory_space<hbm>>) target(%dma_start3A_36 : memref<128x8xf32, #tpu.memory_space<vmem>>) offsets(%dma_start3A_38 : memref<128xi32, #tpu.memory_space<vmem>>) semaphore(%arg8 : memref<!tpu.dma_semaphore, #tpu.memory_space<semaphore_mem>>)
    %dma_start3A_42 = arith.constant 640 : i32
    %dma_start3A_43 = arith.constant 0 : i32
    %dma_start3A_44 = tpu.memref_slice %arg6[%dma_start3A_42, %dma_start3A_43] : memref<1600x8xf32, #tpu.memory_space<vmem>> -> memref<128x8xf32, #tpu.memory_space<vmem>>
    %dma_start3A_45 = arith.constant 640 : i32
    %dma_start3A_46 = tpu.memref_slice %arg5[%dma_start3A_45] : memref<1600xi32, #tpu.memory_space<vmem>> -> memref<128xi32, #tpu.memory_space<vmem>>
    %dma_start3A_47 = arith.constant 0 : i32
    %dma_start3A_48 = arith.constant 0 : i32
    %dma_start3A_49 = tpu.memref_slice %arg2[%dma_start3A_47, %dma_start3A_48] : memref<110592x8xf32, #tpu.memory_space<hbm>> -> memref<110592x8xf32, #tpu.memory_space<hbm>>
    tpu.enqueue_indirect_dma source(%dma_start3A_49 : memref<110592x8xf32, #tpu.memory_space<hbm>>) target(%dma_start3A_44 : memref<128x8xf32, #tpu.memory_space<vmem>>) offsets(%dma_start3A_46 : memref<128xi32, #tpu.memory_space<vmem>>) semaphore(%arg8 : memref<!tpu.dma_semaphore, #tpu.memory_space<semaphore_mem>>)
    %dma_start3A_50 = arith.constant 768 : i32
    %dma_start3A_51 = arith.constant 0 : i32
    %dma_start3A_52 = tpu.memref_slice %arg6[%dma_start3A_50, %dma_start3A_51] : memref<1600x8xf32, #tpu.memory_space<vmem>> -> memref<128x8xf32, #tpu.memory_space<vmem>>
    %dma_start3A_53 = arith.constant 768 : i32
    %dma_start3A_54 = tpu.memref_slice %arg5[%dma_start3A_53] : memref<1600xi32, #tpu.memory_space<vmem>> -> memref<128xi32, #tpu.memory_space<vmem>>
    %dma_start3A_55 = arith.constant 0 : i32
    %dma_start3A_56 = arith.constant 0 : i32
    %dma_start3A_57 = tpu.memref_slice %arg2[%dma_start3A_55, %dma_start3A_56] : memref<110592x8xf32, #tpu.memory_space<hbm>> -> memref<110592x8xf32, #tpu.memory_space<hbm>>
    tpu.enqueue_indirect_dma source(%dma_start3A_57 : memref<110592x8xf32, #tpu.memory_space<hbm>>) target(%dma_start3A_52 : memref<128x8xf32, #tpu.memory_space<vmem>>) offsets(%dma_start3A_54 : memref<128xi32, #tpu.memory_space<vmem>>) semaphore(%arg8 : memref<!tpu.dma_semaphore, #tpu.memory_space<semaphore_mem>>)
    %dma_start3A_58 = arith.constant 896 : i32
    %dma_start3A_59 = arith.constant 0 : i32
    %dma_start3A_60 = tpu.memref_slice %arg6[%dma_start3A_58, %dma_start3A_59] : memref<1600x8xf32, #tpu.memory_space<vmem>> -> memref<128x8xf32, #tpu.memory_space<vmem>>
    %dma_start3A_61 = arith.constant 896 : i32
    %dma_start3A_62 = tpu.memref_slice %arg5[%dma_start3A_61] : memref<1600xi32, #tpu.memory_space<vmem>> -> memref<128xi32, #tpu.memory_space<vmem>>
    %dma_start3A_63 = arith.constant 0 : i32
    %dma_start3A_64 = arith.constant 0 : i32
    %dma_start3A_65 = tpu.memref_slice %arg2[%dma_start3A_63, %dma_start3A_64] : memref<110592x8xf32, #tpu.memory_space<hbm>> -> memref<110592x8xf32, #tpu.memory_space<hbm>>
    tpu.enqueue_indirect_dma source(%dma_start3A_65 : memref<110592x8xf32, #tpu.memory_space<hbm>>) target(%dma_start3A_60 : memref<128x8xf32, #tpu.memory_space<vmem>>) offsets(%dma_start3A_62 : memref<128xi32, #tpu.memory_space<vmem>>) semaphore(%arg8 : memref<!tpu.dma_semaphore, #tpu.memory_space<semaphore_mem>>)
    %dma_start3A_66 = arith.constant 1024 : i32
    %dma_start3A_67 = arith.constant 0 : i32
    %dma_start3A_68 = tpu.memref_slice %arg6[%dma_start3A_66, %dma_start3A_67] : memref<1600x8xf32, #tpu.memory_space<vmem>> -> memref<128x8xf32, #tpu.memory_space<vmem>>
    %dma_start3A_69 = arith.constant 1024 : i32
    %dma_start3A_70 = tpu.memref_slice %arg5[%dma_start3A_69] : memref<1600xi32, #tpu.memory_space<vmem>> -> memref<128xi32, #tpu.memory_space<vmem>>
    %dma_start3A_71 = arith.constant 0 : i32
    %dma_start3A_72 = arith.constant 0 : i32
    %dma_start3A_73 = tpu.memref_slice %arg2[%dma_start3A_71, %dma_start3A_72] : memref<110592x8xf32, #tpu.memory_space<hbm>> -> memref<110592x8xf32, #tpu.memory_space<hbm>>
    tpu.enqueue_indirect_dma source(%dma_start3A_73 : memref<110592x8xf32, #tpu.memory_space<hbm>>) target(%dma_start3A_68 : memref<128x8xf32, #tpu.memory_space<vmem>>) offsets(%dma_start3A_70 : memref<128xi32, #tpu.memory_space<vmem>>) semaphore(%arg8 : memref<!tpu.dma_semaphore, #tpu.memory_space<semaphore_mem>>)
    %dma_start3A_74 = arith.constant 1152 : i32
    %dma_start3A_75 = arith.constant 0 : i32
    %dma_start3A_76 = tpu.memref_slice %arg6[%dma_start3A_74, %dma_start3A_75] : memref<1600x8xf32, #tpu.memory_space<vmem>> -> memref<128x8xf32, #tpu.memory_space<vmem>>
    %dma_start3A_77 = arith.constant 1152 : i32
    %dma_start3A_78 = tpu.memref_slice %arg5[%dma_start3A_77] : memref<1600xi32, #tpu.memory_space<vmem>> -> memref<128xi32, #tpu.memory_space<vmem>>
    %dma_start3A_79 = arith.constant 0 : i32
    %dma_start3A_80 = arith.constant 0 : i32
    %dma_start3A_81 = tpu.memref_slice %arg2[%dma_start3A_79, %dma_start3A_80] : memref<110592x8xf32, #tpu.memory_space<hbm>> -> memref<110592x8xf32, #tpu.memory_space<hbm>>
    tpu.enqueue_indirect_dma source(%dma_start3A_81 : memref<110592x8xf32, #tpu.memory_space<hbm>>) target(%dma_start3A_76 : memref<128x8xf32, #tpu.memory_space<vmem>>) offsets(%dma_start3A_78 : memref<128xi32, #tpu.memory_space<vmem>>) semaphore(%arg8 : memref<!tpu.dma_semaphore, #tpu.memory_space<semaphore_mem>>)
    %dma_start3A_82 = arith.constant 1280 : i32
    %dma_start3A_83 = arith.constant 0 : i32
    %dma_start3A_84 = tpu.memref_slice %arg6[%dma_start3A_82, %dma_start3A_83] : memref<1600x8xf32, #tpu.memory_space<vmem>> -> memref<128x8xf32, #tpu.memory_space<vmem>>
    %dma_start3A_85 = arith.constant 1280 : i32
    %dma_start3A_86 = tpu.memref_slice %arg5[%dma_start3A_85] : memref<1600xi32, #tpu.memory_space<vmem>> -> memref<128xi32, #tpu.memory_space<vmem>>
    %dma_start3A_87 = arith.constant 0 : i32
    %dma_start3A_88 = arith.constant 0 : i32
    %dma_start3A_89 = tpu.memref_slice %arg2[%dma_start3A_87, %dma_start3A_88] : memref<110592x8xf32, #tpu.memory_space<hbm>> -> memref<110592x8xf32, #tpu.memory_space<hbm>>
    tpu.enqueue_indirect_dma source(%dma_start3A_89 : memref<110592x8xf32, #tpu.memory_space<hbm>>) target(%dma_start3A_84 : memref<128x8xf32, #tpu.memory_space<vmem>>) offsets(%dma_start3A_86 : memref<128xi32, #tpu.memory_space<vmem>>) semaphore(%arg8 : memref<!tpu.dma_semaphore, #tpu.memory_space<semaphore_mem>>)
    %dma_start3A_90 = arith.constant 1408 : i32
    %dma_start3A_91 = arith.constant 0 : i32
    %dma_start3A_92 = tpu.memref_slice %arg6[%dma_start3A_90, %dma_start3A_91] : memref<1600x8xf32, #tpu.memory_space<vmem>> -> memref<128x8xf32, #tpu.memory_space<vmem>>
    %dma_start3A_93 = arith.constant 1408 : i32
    %dma_start3A_94 = tpu.memref_slice %arg5[%dma_start3A_93] : memref<1600xi32, #tpu.memory_space<vmem>> -> memref<128xi32, #tpu.memory_space<vmem>>
    %dma_start3A_95 = arith.constant 0 : i32
    %dma_start3A_96 = arith.constant 0 : i32
    %dma_start3A_97 = tpu.memref_slice %arg2[%dma_start3A_95, %dma_start3A_96] : memref<110592x8xf32, #tpu.memory_space<hbm>> -> memref<110592x8xf32, #tpu.memory_space<hbm>>
    tpu.enqueue_indirect_dma source(%dma_start3A_97 : memref<110592x8xf32, #tpu.memory_space<hbm>>) target(%dma_start3A_92 : memref<128x8xf32, #tpu.memory_space<vmem>>) offsets(%dma_start3A_94 : memref<128xi32, #tpu.memory_space<vmem>>) semaphore(%arg8 : memref<!tpu.dma_semaphore, #tpu.memory_space<semaphore_mem>>)
    %dma_start3A_98 = arith.constant 1536 : i32
    %dma_start3A_99 = arith.constant 0 : i32
    %dma_start3A_100 = tpu.memref_slice %arg6[%dma_start3A_98, %dma_start3A_99] : memref<1600x8xf32, #tpu.memory_space<vmem>> -> memref<64x8xf32, #tpu.memory_space<vmem>>
    %dma_start3A_101 = arith.constant 1536 : i32
    %dma_start3A_102 = tpu.memref_slice %arg5[%dma_start3A_101] : memref<1600xi32, #tpu.memory_space<vmem>> -> memref<64xi32, #tpu.memory_space<vmem>>
    %dma_start3A_103 = arith.constant 0 : i32
    %dma_start3A_104 = arith.constant 0 : i32
    %dma_start3A_105 = tpu.memref_slice %arg2[%dma_start3A_103, %dma_start3A_104] : memref<110592x8xf32, #tpu.memory_space<hbm>> -> memref<110592x8xf32, #tpu.memory_space<hbm>>
    tpu.enqueue_indirect_dma source(%dma_start3A_105 : memref<110592x8xf32, #tpu.memory_space<hbm>>) target(%dma_start3A_100 : memref<64x8xf32, #tpu.memory_space<vmem>>) offsets(%dma_start3A_102 : memref<64xi32, #tpu.memory_space<vmem>>) semaphore(%arg8 : memref<!tpu.dma_semaphore, #tpu.memory_space<semaphore_mem>>)
    %dma_wait3A = arith.constant 0 : i32
    %dma_wait3A_106 = arith.constant 0 : i32
    %dma_wait3A_107 = tpu.memref_slice %arg6[%dma_wait3A, %dma_wait3A_106] : memref<1600x8xf32, #tpu.memory_space<vmem>> -> memref<128x8xf32, #tpu.memory_space<vmem>>
    %dma_wait3A_108 = arith.constant 0 : i32
    %dma_wait3A_109 = tpu.memref_slice %arg5[%dma_wait3A_108] : memref<1600xi32, #tpu.memory_space<vmem>> -> memref<128xi32, #tpu.memory_space<vmem>>
    %dma_wait3A_110 = arith.constant 0 : i32
    %dma_wait3A_111 = arith.constant 0 : i32
    %dma_wait3A_112 = tpu.memref_slice %arg2[%dma_wait3A_110, %dma_wait3A_111] : memref<110592x8xf32, #tpu.memory_space<hbm>> -> memref<110592x8xf32, #tpu.memory_space<hbm>>
    tpu.wait_indirect_dma semaphore(%arg8 : memref<!tpu.dma_semaphore, #tpu.memory_space<semaphore_mem>>) src(%dma_wait3A_112 : memref<110592x8xf32, #tpu.memory_space<hbm>>) dst(%dma_wait3A_107 : memref<128x8xf32, #tpu.memory_space<vmem>>)
    %dma_wait3A_113 = arith.constant 128 : i32
    %dma_wait3A_114 = arith.constant 0 : i32
    %dma_wait3A_115 = tpu.memref_slice %arg6[%dma_wait3A_113, %dma_wait3A_114] : memref<1600x8xf32, #tpu.memory_space<vmem>> -> memref<128x8xf32, #tpu.memory_space<vmem>>
    %dma_wait3A_116 = arith.constant 128 : i32
    %dma_wait3A_117 = tpu.memref_slice %arg5[%dma_wait3A_116] : memref<1600xi32, #tpu.memory_space<vmem>> -> memref<128xi32, #tpu.memory_space<vmem>>
    %dma_wait3A_118 = arith.constant 0 : i32
    %dma_wait3A_119 = arith.constant 0 : i32
    %dma_wait3A_120 = tpu.memref_slice %arg2[%dma_wait3A_118, %dma_wait3A_119] : memref<110592x8xf32, #tpu.memory_space<hbm>> -> memref<110592x8xf32, #tpu.memory_space<hbm>>
    tpu.wait_indirect_dma semaphore(%arg8 : memref<!tpu.dma_semaphore, #tpu.memory_space<semaphore_mem>>) src(%dma_wait3A_120 : memref<110592x8xf32, #tpu.memory_space<hbm>>) dst(%dma_wait3A_115 : memref<128x8xf32, #tpu.memory_space<vmem>>)
    %dma_wait3A_121 = arith.constant 256 : i32
    %dma_wait3A_122 = arith.constant 0 : i32
    %dma_wait3A_123 = tpu.memref_slice %arg6[%dma_wait3A_121, %dma_wait3A_122] : memref<1600x8xf32, #tpu.memory_space<vmem>> -> memref<128x8xf32, #tpu.memory_space<vmem>>
    %dma_wait3A_124 = arith.constant 256 : i32
    %dma_wait3A_125 = tpu.memref_slice %arg5[%dma_wait3A_124] : memref<1600xi32, #tpu.memory_space<vmem>> -> memref<128xi32, #tpu.memory_space<vmem>>
    %dma_wait3A_126 = arith.constant 0 : i32
    %dma_wait3A_127 = arith.constant 0 : i32
    %dma_wait3A_128 = tpu.memref_slice %arg2[%dma_wait3A_126, %dma_wait3A_127] : memref<110592x8xf32, #tpu.memory_space<hbm>> -> memref<110592x8xf32, #tpu.memory_space<hbm>>
    tpu.wait_indirect_dma semaphore(%arg8 : memref<!tpu.dma_semaphore, #tpu.memory_space<semaphore_mem>>) src(%dma_wait3A_128 : memref<110592x8xf32, #tpu.memory_space<hbm>>) dst(%dma_wait3A_123 : memref<128x8xf32, #tpu.memory_space<vmem>>)
    %dma_wait3A_129 = arith.constant 384 : i32
    %dma_wait3A_130 = arith.constant 0 : i32
    %dma_wait3A_131 = tpu.memref_slice %arg6[%dma_wait3A_129, %dma_wait3A_130] : memref<1600x8xf32, #tpu.memory_space<vmem>> -> memref<128x8xf32, #tpu.memory_space<vmem>>
    %dma_wait3A_132 = arith.constant 384 : i32
    %dma_wait3A_133 = tpu.memref_slice %arg5[%dma_wait3A_132] : memref<1600xi32, #tpu.memory_space<vmem>> -> memref<128xi32, #tpu.memory_space<vmem>>
    %dma_wait3A_134 = arith.constant 0 : i32
    %dma_wait3A_135 = arith.constant 0 : i32
    %dma_wait3A_136 = tpu.memref_slice %arg2[%dma_wait3A_134, %dma_wait3A_135] : memref<110592x8xf32, #tpu.memory_space<hbm>> -> memref<110592x8xf32, #tpu.memory_space<hbm>>
    tpu.wait_indirect_dma semaphore(%arg8 : memref<!tpu.dma_semaphore, #tpu.memory_space<semaphore_mem>>) src(%dma_wait3A_136 : memref<110592x8xf32, #tpu.memory_space<hbm>>) dst(%dma_wait3A_131 : memref<128x8xf32, #tpu.memory_space<vmem>>)
    %dma_wait3A_137 = arith.constant 512 : i32
    %dma_wait3A_138 = arith.constant 0 : i32
    %dma_wait3A_139 = tpu.memref_slice %arg6[%dma_wait3A_137, %dma_wait3A_138] : memref<1600x8xf32, #tpu.memory_space<vmem>> -> memref<128x8xf32, #tpu.memory_space<vmem>>
    %dma_wait3A_140 = arith.constant 512 : i32
    %dma_wait3A_141 = tpu.memref_slice %arg5[%dma_wait3A_140] : memref<1600xi32, #tpu.memory_space<vmem>> -> memref<128xi32, #tpu.memory_space<vmem>>
    %dma_wait3A_142 = arith.constant 0 : i32
    %dma_wait3A_143 = arith.constant 0 : i32
    %dma_wait3A_144 = tpu.memref_slice %arg2[%dma_wait3A_142, %dma_wait3A_143] : memref<110592x8xf32, #tpu.memory_space<hbm>> -> memref<110592x8xf32, #tpu.memory_space<hbm>>
    tpu.wait_indirect_dma semaphore(%arg8 : memref<!tpu.dma_semaphore, #tpu.memory_space<semaphore_mem>>) src(%dma_wait3A_144 : memref<110592x8xf32, #tpu.memory_space<hbm>>) dst(%dma_wait3A_139 : memref<128x8xf32, #tpu.memory_space<vmem>>)
    %dma_wait3A_145 = arith.constant 640 : i32
    %dma_wait3A_146 = arith.constant 0 : i32
    %dma_wait3A_147 = tpu.memref_slice %arg6[%dma_wait3A_145, %dma_wait3A_146] : memref<1600x8xf32, #tpu.memory_space<vmem>> -> memref<128x8xf32, #tpu.memory_space<vmem>>
    %dma_wait3A_148 = arith.constant 640 : i32
    %dma_wait3A_149 = tpu.memref_slice %arg5[%dma_wait3A_148] : memref<1600xi32, #tpu.memory_space<vmem>> -> memref<128xi32, #tpu.memory_space<vmem>>
    %dma_wait3A_150 = arith.constant 0 : i32
    %dma_wait3A_151 = arith.constant 0 : i32
    %dma_wait3A_152 = tpu.memref_slice %arg2[%dma_wait3A_150, %dma_wait3A_151] : memref<110592x8xf32, #tpu.memory_space<hbm>> -> memref<110592x8xf32, #tpu.memory_space<hbm>>
    tpu.wait_indirect_dma semaphore(%arg8 : memref<!tpu.dma_semaphore, #tpu.memory_space<semaphore_mem>>) src(%dma_wait3A_152 : memref<110592x8xf32, #tpu.memory_space<hbm>>) dst(%dma_wait3A_147 : memref<128x8xf32, #tpu.memory_space<vmem>>)
    %dma_wait3A_153 = arith.constant 768 : i32
    %dma_wait3A_154 = arith.constant 0 : i32
    %dma_wait3A_155 = tpu.memref_slice %arg6[%dma_wait3A_153, %dma_wait3A_154] : memref<1600x8xf32, #tpu.memory_space<vmem>> -> memref<128x8xf32, #tpu.memory_space<vmem>>
    %dma_wait3A_156 = arith.constant 768 : i32
    %dma_wait3A_157 = tpu.memref_slice %arg5[%dma_wait3A_156] : memref<1600xi32, #tpu.memory_space<vmem>> -> memref<128xi32, #tpu.memory_space<vmem>>
    %dma_wait3A_158 = arith.constant 0 : i32
    %dma_wait3A_159 = arith.constant 0 : i32
    %dma_wait3A_160 = tpu.memref_slice %arg2[%dma_wait3A_158, %dma_wait3A_159] : memref<110592x8xf32, #tpu.memory_space<hbm>> -> memref<110592x8xf32, #tpu.memory_space<hbm>>
    tpu.wait_indirect_dma semaphore(%arg8 : memref<!tpu.dma_semaphore, #tpu.memory_space<semaphore_mem>>) src(%dma_wait3A_160 : memref<110592x8xf32, #tpu.memory_space<hbm>>) dst(%dma_wait3A_155 : memref<128x8xf32, #tpu.memory_space<vmem>>)
    %dma_wait3A_161 = arith.constant 896 : i32
    %dma_wait3A_162 = arith.constant 0 : i32
    %dma_wait3A_163 = tpu.memref_slice %arg6[%dma_wait3A_161, %dma_wait3A_162] : memref<1600x8xf32, #tpu.memory_space<vmem>> -> memref<128x8xf32, #tpu.memory_space<vmem>>
    %dma_wait3A_164 = arith.constant 896 : i32
    %dma_wait3A_165 = tpu.memref_slice %arg5[%dma_wait3A_164] : memref<1600xi32, #tpu.memory_space<vmem>> -> memref<128xi32, #tpu.memory_space<vmem>>
    %dma_wait3A_166 = arith.constant 0 : i32
    %dma_wait3A_167 = arith.constant 0 : i32
    %dma_wait3A_168 = tpu.memref_slice %arg2[%dma_wait3A_166, %dma_wait3A_167] : memref<110592x8xf32, #tpu.memory_space<hbm>> -> memref<110592x8xf32, #tpu.memory_space<hbm>>
    tpu.wait_indirect_dma semaphore(%arg8 : memref<!tpu.dma_semaphore, #tpu.memory_space<semaphore_mem>>) src(%dma_wait3A_168 : memref<110592x8xf32, #tpu.memory_space<hbm>>) dst(%dma_wait3A_163 : memref<128x8xf32, #tpu.memory_space<vmem>>)
    %dma_wait3A_169 = arith.constant 1024 : i32
    %dma_wait3A_170 = arith.constant 0 : i32
    %dma_wait3A_171 = tpu.memref_slice %arg6[%dma_wait3A_169, %dma_wait3A_170] : memref<1600x8xf32, #tpu.memory_space<vmem>> -> memref<128x8xf32, #tpu.memory_space<vmem>>
    %dma_wait3A_172 = arith.constant 1024 : i32
    %dma_wait3A_173 = tpu.memref_slice %arg5[%dma_wait3A_172] : memref<1600xi32, #tpu.memory_space<vmem>> -> memref<128xi32, #tpu.memory_space<vmem>>
    %dma_wait3A_174 = arith.constant 0 : i32
    %dma_wait3A_175 = arith.constant 0 : i32
    %dma_wait3A_176 = tpu.memref_slice %arg2[%dma_wait3A_174, %dma_wait3A_175] : memref<110592x8xf32, #tpu.memory_space<hbm>> -> memref<110592x8xf32, #tpu.memory_space<hbm>>
    tpu.wait_indirect_dma semaphore(%arg8 : memref<!tpu.dma_semaphore, #tpu.memory_space<semaphore_mem>>) src(%dma_wait3A_176 : memref<110592x8xf32, #tpu.memory_space<hbm>>) dst(%dma_wait3A_171 : memref<128x8xf32, #tpu.memory_space<vmem>>)
    %dma_wait3A_177 = arith.constant 1152 : i32
    %dma_wait3A_178 = arith.constant 0 : i32
    %dma_wait3A_179 = tpu.memref_slice %arg6[%dma_wait3A_177, %dma_wait3A_178] : memref<1600x8xf32, #tpu.memory_space<vmem>> -> memref<128x8xf32, #tpu.memory_space<vmem>>
    %dma_wait3A_180 = arith.constant 1152 : i32
    %dma_wait3A_181 = tpu.memref_slice %arg5[%dma_wait3A_180] : memref<1600xi32, #tpu.memory_space<vmem>> -> memref<128xi32, #tpu.memory_space<vmem>>
    %dma_wait3A_182 = arith.constant 0 : i32
    %dma_wait3A_183 = arith.constant 0 : i32
    %dma_wait3A_184 = tpu.memref_slice %arg2[%dma_wait3A_182, %dma_wait3A_183] : memref<110592x8xf32, #tpu.memory_space<hbm>> -> memref<110592x8xf32, #tpu.memory_space<hbm>>
    tpu.wait_indirect_dma semaphore(%arg8 : memref<!tpu.dma_semaphore, #tpu.memory_space<semaphore_mem>>) src(%dma_wait3A_184 : memref<110592x8xf32, #tpu.memory_space<hbm>>) dst(%dma_wait3A_179 : memref<128x8xf32, #tpu.memory_space<vmem>>)
    %dma_wait3A_185 = arith.constant 1280 : i32
    %dma_wait3A_186 = arith.constant 0 : i32
    %dma_wait3A_187 = tpu.memref_slice %arg6[%dma_wait3A_185, %dma_wait3A_186] : memref<1600x8xf32, #tpu.memory_space<vmem>> -> memref<128x8xf32, #tpu.memory_space<vmem>>
    %dma_wait3A_188 = arith.constant 1280 : i32
    %dma_wait3A_189 = tpu.memref_slice %arg5[%dma_wait3A_188] : memref<1600xi32, #tpu.memory_space<vmem>> -> memref<128xi32, #tpu.memory_space<vmem>>
    %dma_wait3A_190 = arith.constant 0 : i32
    %dma_wait3A_191 = arith.constant 0 : i32
    %dma_wait3A_192 = tpu.memref_slice %arg2[%dma_wait3A_190, %dma_wait3A_191] : memref<110592x8xf32, #tpu.memory_space<hbm>> -> memref<110592x8xf32, #tpu.memory_space<hbm>>
    tpu.wait_indirect_dma semaphore(%arg8 : memref<!tpu.dma_semaphore, #tpu.memory_space<semaphore_mem>>) src(%dma_wait3A_192 : memref<110592x8xf32, #tpu.memory_space<hbm>>) dst(%dma_wait3A_187 : memref<128x8xf32, #tpu.memory_space<vmem>>)
    %dma_wait3A_193 = arith.constant 1408 : i32
    %dma_wait3A_194 = arith.constant 0 : i32
    %dma_wait3A_195 = tpu.memref_slice %arg6[%dma_wait3A_193, %dma_wait3A_194] : memref<1600x8xf32, #tpu.memory_space<vmem>> -> memref<128x8xf32, #tpu.memory_space<vmem>>
    %dma_wait3A_196 = arith.constant 1408 : i32
    %dma_wait3A_197 = tpu.memref_slice %arg5[%dma_wait3A_196] : memref<1600xi32, #tpu.memory_space<vmem>> -> memref<128xi32, #tpu.memory_space<vmem>>
    %dma_wait3A_198 = arith.constant 0 : i32
    %dma_wait3A_199 = arith.constant 0 : i32
    %dma_wait3A_200 = tpu.memref_slice %arg2[%dma_wait3A_198, %dma_wait3A_199] : memref<110592x8xf32, #tpu.memory_space<hbm>> -> memref<110592x8xf32, #tpu.memory_space<hbm>>
    tpu.wait_indirect_dma semaphore(%arg8 : memref<!tpu.dma_semaphore, #tpu.memory_space<semaphore_mem>>) src(%dma_wait3A_200 : memref<110592x8xf32, #tpu.memory_space<hbm>>) dst(%dma_wait3A_195 : memref<128x8xf32, #tpu.memory_space<vmem>>)
    %dma_wait3A_201 = arith.constant 1536 : i32
    %dma_wait3A_202 = arith.constant 0 : i32
    %dma_wait3A_203 = tpu.memref_slice %arg6[%dma_wait3A_201, %dma_wait3A_202] : memref<1600x8xf32, #tpu.memory_space<vmem>> -> memref<64x8xf32, #tpu.memory_space<vmem>>
    %dma_wait3A_204 = arith.constant 1536 : i32
    %dma_wait3A_205 = tpu.memref_slice %arg5[%dma_wait3A_204] : memref<1600xi32, #tpu.memory_space<vmem>> -> memref<64xi32, #tpu.memory_space<vmem>>
    %dma_wait3A_206 = arith.constant 0 : i32
    %dma_wait3A_207 = arith.constant 0 : i32
    %dma_wait3A_208 = tpu.memref_slice %arg2[%dma_wait3A_206, %dma_wait3A_207] : memref<110592x8xf32, #tpu.memory_space<hbm>> -> memref<110592x8xf32, #tpu.memory_space<hbm>>
    tpu.wait_indirect_dma semaphore(%arg8 : memref<!tpu.dma_semaphore, #tpu.memory_space<semaphore_mem>>) src(%dma_wait3A_208 : memref<110592x8xf32, #tpu.memory_space<hbm>>) dst(%dma_wait3A_203 : memref<64x8xf32, #tpu.memory_space<vmem>>)
    %iota3A = tpu.iota {dimensions = array<i32: 0>} : vector<16xi32>
    %broadcast_in_dim3A = arith.constant 0 : i32
    %broadcast_in_dim3A_209 = vector.broadcast %broadcast_in_dim3A : i32 to vector<16xi32>
    %broadcast_in_dim3A_210 = arith.constant 1.000000e+00 : f32
    %broadcast_in_dim3A_211 = vector.broadcast %broadcast_in_dim3A_210 : f32 to vector<16xf32>
    %broadcast_in_dim3A_212 = arith.constant 0.000000e+00 : f32
    %broadcast_in_dim3A_213 = vector.broadcast %broadcast_in_dim3A_212 : f32 to vector<16xf32>
    %scan3A = arith.constant 0 : i32
    %scan3A_214 = arith.constant 0 : i32
    %scan3A_215 = arith.constant 100 : i32
    %scan3A_216 = arith.addi %scan3A_214, %scan3A_215 : i32
    %scan3A_217 = arith.constant 1 : i32
    scf.for %scan3A_291 = %scan3A_214 to %scan3A_216 step %scan3A_217  : i32 {
      %mul3A_292 = arith.constant 16 : i32
      %mul3A_293 = arith.muli %scan3A_291, %mul3A_292 : i32
      %add3A_294 = vector.broadcast %mul3A_293 : i32 to vector<16xi32>
      %add3A_295 = arith.addi %add3A_294, %iota3A : vector<16xi32>
      %gather3A = tpu.vector_load_idx %arg6[%add3A_295, %broadcast_in_dim3A_209] : memref<1600x8xf32, #tpu.memory_space<vmem>>[vector<16xi32>, vector<16xi32>], vector<16xf32>,
      %add3A_296 = arith.constant 1 : i32
      %add3A_297 = vector.broadcast %add3A_296 : i32 to vector<16xi32>
      %add3A_298 = arith.addi %broadcast_in_dim3A_209, %add3A_297 : vector<16xi32>
      %gather3A_299 = tpu.vector_load_idx %arg6[%add3A_295, %add3A_298] : memref<1600x8xf32, #tpu.memory_space<vmem>>[vector<16xi32>, vector<16xi32>], vector<16xf32>,
      %add3A_300 = arith.constant 2 : i32
      %add3A_301 = vector.broadcast %add3A_300 : i32 to vector<16xi32>
      %add3A_302 = arith.addi %broadcast_in_dim3A_209, %add3A_301 : vector<16xi32>
      %gather3A_303 = tpu.vector_load_idx %arg6[%add3A_295, %add3A_302] : memref<1600x8xf32, #tpu.memory_space<vmem>>[vector<16xi32>, vector<16xi32>], vector<16xf32>,
      %swap3A = arith.constant 0 : i32
      %swap3A_304 = arith.index_cast %swap3A : i32 to index
      %swap3A_305 = arith.index_cast %mul3A_293 : i32 to index
      %swap3A_306 = tpu.vector_load %arg7[%swap3A_304, %swap3A_305] {strides = array<i32>} : memref<8x1600xf32, #tpu.memory_space<vmem>>, vector<16xf32>,
      tpu.vector_store %arg7[%swap3A_304, %swap3A_305], %gather3A {strides = array<i32>} : memref<8x1600xf32, #tpu.memory_space<vmem>>, vector<16xf32>,
      %swap3A_307 = arith.constant 1 : i32
      %swap3A_308 = arith.index_cast %swap3A_307 : i32 to index
      %swap3A_309 = arith.index_cast %mul3A_293 : i32 to index
      %swap3A_310 = tpu.vector_load %arg7[%swap3A_308, %swap3A_309] {strides = array<i32>} : memref<8x1600xf32, #tpu.memory_space<vmem>>, vector<16xf32>,
      tpu.vector_store %arg7[%swap3A_308, %swap3A_309], %gather3A_299 {strides = array<i32>} : memref<8x1600xf32, #tpu.memory_space<vmem>>, vector<16xf32>,
      %swap3A_311 = arith.constant 2 : i32
      %swap3A_312 = arith.index_cast %swap3A_311 : i32 to index
      %swap3A_313 = arith.index_cast %mul3A_293 : i32 to index
      %swap3A_314 = tpu.vector_load %arg7[%swap3A_312, %swap3A_313] {strides = array<i32>} : memref<8x1600xf32, #tpu.memory_space<vmem>>, vector<16xf32>,
      tpu.vector_store %arg7[%swap3A_312, %swap3A_313], %gather3A_303 {strides = array<i32>} : memref<8x1600xf32, #tpu.memory_space<vmem>>, vector<16xf32>,
      %swap3A_315 = arith.constant 3 : i32
      %swap3A_316 = arith.index_cast %swap3A_315 : i32 to index
      %swap3A_317 = arith.index_cast %mul3A_293 : i32 to index
      %swap3A_318 = tpu.vector_load %arg7[%swap3A_316, %swap3A_317] {strides = array<i32>} : memref<8x1600xf32, #tpu.memory_space<vmem>>, vector<16xf32>,
      tpu.vector_store %arg7[%swap3A_316, %swap3A_317], %broadcast_in_dim3A_211 {strides = array<i32>} : memref<8x1600xf32, #tpu.memory_space<vmem>>, vector<16xf32>,
      %mul3A_319 = arith.mulf %gather3A, %gather3A : vector<16xf32>
      %mul3A_320 = arith.mulf %gather3A_299, %gather3A_299 : vector<16xf32>
      %add3A_321 = arith.addf %mul3A_319, %mul3A_320 : vector<16xf32>
      %mul3A_322 = arith.mulf %gather3A_303, %gather3A_303 : vector<16xf32>
      %add3A_323 = arith.addf %add3A_321, %mul3A_322 : vector<16xf32>
      %swap3A_324 = arith.constant 4 : i32
      %swap3A_325 = arith.index_cast %swap3A_324 : i32 to index
      %swap3A_326 = arith.index_cast %mul3A_293 : i32 to index
      %swap3A_327 = tpu.vector_load %arg7[%swap3A_325, %swap3A_326] {strides = array<i32>} : memref<8x1600xf32, #tpu.memory_space<vmem>>, vector<16xf32>,
      tpu.vector_store %arg7[%swap3A_325, %swap3A_326], %add3A_323 {strides = array<i32>} : memref<8x1600xf32, #tpu.memory_space<vmem>>, vector<16xf32>,
      %swap3A_328 = arith.constant 5 : i32
      %swap3A_329 = arith.index_cast %swap3A_328 : i32 to index
      %swap3A_330 = arith.index_cast %mul3A_293 : i32 to index
      %swap3A_331 = tpu.vector_load %arg7[%swap3A_329, %swap3A_330] {strides = array<i32>} : memref<8x1600xf32, #tpu.memory_space<vmem>>, vector<16xf32>,
      tpu.vector_store %arg7[%swap3A_329, %swap3A_330], %broadcast_in_dim3A_213 {strides = array<i32>} : memref<8x1600xf32, #tpu.memory_space<vmem>>, vector<16xf32>,
      %swap3A_332 = arith.constant 6 : i32
      %swap3A_333 = arith.index_cast %swap3A_332 : i32 to index
      %swap3A_334 = arith.index_cast %mul3A_293 : i32 to index
      %swap3A_335 = tpu.vector_load %arg7[%swap3A_333, %swap3A_334] {strides = array<i32>} : memref<8x1600xf32, #tpu.memory_space<vmem>>, vector<16xf32>,
      tpu.vector_store %arg7[%swap3A_333, %swap3A_334], %broadcast_in_dim3A_213 {strides = array<i32>} : memref<8x1600xf32, #tpu.memory_space<vmem>>, vector<16xf32>,
      %swap3A_336 = arith.constant 7 : i32
      %swap3A_337 = arith.index_cast %swap3A_336 : i32 to index
      %swap3A_338 = arith.index_cast %mul3A_293 : i32 to index
      %swap3A_339 = tpu.vector_load %arg7[%swap3A_337, %swap3A_338] {strides = array<i32>} : memref<8x1600xf32, #tpu.memory_space<vmem>>, vector<16xf32>,
      tpu.vector_store %arg7[%swap3A_337, %swap3A_338], %broadcast_in_dim3A_213 {strides = array<i32>} : memref<8x1600xf32, #tpu.memory_space<vmem>>, vector<16xf32>,
    }
    %scan3A_218 = arith.constant 100 : i32
    %jit3A = arith.constant 16 : i32
    %div3A = arith.divsi %add3A, %jit3A : i32
    %sign3A = arith.constant 0 : i32
    %sign3A_219 = arith.cmpi sgt, %add3A, %sign3A : i32
    %sign3A_220 = arith.extui %sign3A_219 : i1 to i32
    %sign3A_221 = arith.constant 0 : i32
    %sign3A_222 = arith.cmpi slt, %add3A, %sign3A_221 : i32
    %sign3A_223 = arith.extui %sign3A_222 : i1 to i32
    %sign3A_224 = arith.subi %sign3A_220, %sign3A_223 : i32
    %sign3A_225 = arith.constant 0 : i32
    %sign3A_226 = arith.cmpi sgt, %jit3A, %sign3A_225 : i32
    %sign3A_227 = arith.extui %sign3A_226 : i1 to i32
    %sign3A_228 = arith.constant 0 : i32
    %sign3A_229 = arith.cmpi slt, %jit3A, %sign3A_228 : i32
    %sign3A_230 = arith.extui %sign3A_229 : i1 to i32
    %sign3A_231 = arith.subi %sign3A_227, %sign3A_230 : i32
    %ne3A = arith.cmpi ne, %sign3A_224, %sign3A_231 : i32
    %rem3A = arith.remsi %add3A, %jit3A : i32
    %ne3A_232 = arith.constant 0 : i32
    %ne3A_233 = arith.cmpi ne, %rem3A, %ne3A_232 : i32
    %and3A = arith.andi %ne3A, %ne3A_233 : i1
    %sub3A = arith.constant 1 : i32
    %sub3A_234 = arith.subi %div3A, %sub3A : i32
    %select_n3A = arith.select %and3A, %sub3A_234, %div3A : i32
    %jit3A_235 = arith.constant 2 : i32
    %div3A_236 = arith.divsi %add3A, %jit3A_235 : i32
    %sign3A_237 = arith.constant 0 : i32
    %sign3A_238 = arith.cmpi sgt, %add3A, %sign3A_237 : i32
    %sign3A_239 = arith.extui %sign3A_238 : i1 to i32
    %sign3A_240 = arith.constant 0 : i32
    %sign3A_241 = arith.cmpi slt, %add3A, %sign3A_240 : i32
    %sign3A_242 = arith.extui %sign3A_241 : i1 to i32
    %sign3A_243 = arith.subi %sign3A_239, %sign3A_242 : i32
    %sign3A_244 = arith.constant 0 : i32
    %sign3A_245 = arith.cmpi sgt, %jit3A_235, %sign3A_244 : i32
    %sign3A_246 = arith.extui %sign3A_245 : i1 to i32
    %sign3A_247 = arith.constant 0 : i32
    %sign3A_248 = arith.cmpi slt, %jit3A_235, %sign3A_247 : i32
    %sign3A_249 = arith.extui %sign3A_248 : i1 to i32
    %sign3A_250 = arith.subi %sign3A_246, %sign3A_249 : i32
    %ne3A_251 = arith.cmpi ne, %sign3A_243, %sign3A_250 : i32
    %rem3A_252 = arith.remsi %add3A, %jit3A_235 : i32
    %ne3A_253 = arith.constant 0 : i32
    %ne3A_254 = arith.cmpi ne, %rem3A_252, %ne3A_253 : i32
    %and3A_255 = arith.andi %ne3A_251, %ne3A_254 : i1
    %sub3A_256 = arith.constant 1 : i32
    %sub3A_257 = arith.subi %div3A_236, %sub3A_256 : i32
    %select_n3A_258 = arith.select %and3A_255, %sub3A_257, %div3A_236 : i32
    %jit3A_259 = arith.constant 8 : i32
    %eq3A = arith.constant 0 : i32
    %eq3A_260 = arith.cmpi eq, %jit3A_259, %eq3A : i32
    %jit3A_261 = arith.constant 1 : i32
    %select_n3A_262 = arith.select %eq3A_260, %jit3A_261, %jit3A_259 : i32
    %rem3A_263 = arith.remsi %select_n3A_258, %select_n3A_262 : i32
    %ne3A_264 = arith.constant 0 : i32
    %ne3A_265 = arith.cmpi ne, %rem3A_263, %ne3A_264 : i32
    %lt3A = arith.constant 0 : i32
    %lt3A_266 = arith.cmpi slt, %rem3A_263, %lt3A : i32
    %lt3A_267 = arith.constant 0 : i32
    %lt3A_268 = arith.cmpi slt, %select_n3A_262, %lt3A_267 : i32
    %ne3A_269 = arith.xori %lt3A_266, %lt3A_268 : i1
    %and3A_270 = arith.andi %ne3A_269, %ne3A_265 : i1
    %add3A_271 = arith.addi %rem3A_263, %select_n3A_262 : i32
    %select_n3A_272 = arith.select %and3A_270, %add3A_271, %rem3A_263 : i32
    %jit3A_273 = arith.constant 2 : i32
    %eq3A_274 = arith.constant 0 : i32
    %eq3A_275 = arith.cmpi eq, %jit3A_273, %eq3A_274 : i32
    %jit3A_276 = arith.constant 1 : i32
    %select_n3A_277 = arith.select %eq3A_275, %jit3A_276, %jit3A_273 : i32
    %rem3A_278 = arith.remsi %add3A, %select_n3A_277 : i32
    %ne3A_279 = arith.constant 0 : i32
    %ne3A_280 = arith.cmpi ne, %rem3A_278, %ne3A_279 : i32
    %lt3A_281 = arith.constant 0 : i32
    %lt3A_282 = arith.cmpi slt, %rem3A_278, %lt3A_281 : i32
    %lt3A_283 = arith.constant 0 : i32
    %lt3A_284 = arith.cmpi slt, %select_n3A_277, %lt3A_283 : i32
    %ne3A_285 = arith.xori %lt3A_282, %lt3A_284 : i1
    %and3A_286 = arith.andi %ne3A_285, %ne3A_280 : i1
    %add3A_287 = arith.addi %rem3A_278, %select_n3A_277 : i32
    %select_n3A_288 = arith.select %and3A_286, %add3A_287, %rem3A_278 : i32
    %mul3A_289 = arith.constant 1600 : i32
    %mul3A_290 = arith.muli %select_n3A_288, %mul3A_289 : i32
    "tpu.region"() ({
      %run_scoped3A = tpu.sem_alloc : memref<!tpu.dma_semaphore, #tpu.memory_space<semaphore_mem>>
      %dma_start3A_291 = arith.constant 0 : i32
      %dma_start3A_292 = tpu.memref_slice %arg4[%select_n3A, %select_n3A_272, %dma_start3A_291, %mul3A_290] : memref<2x8x8x3200xf32, #tpu.memory_space<hbm>> -> memref<1x1x8x1600xf32, #tpu.memory_space<hbm>>
      %dma_start3A_293 = tpu.memref_squeeze %dma_start3A_292 : memref<1x1x8x1600xf32, #tpu.memory_space<hbm>> -> memref<8x1600xf32, #tpu.memory_space<hbm>>
      %dma_start3A_294 = arith.constant 0 : i32
      %dma_start3A_295 = tpu.memref_slice %arg4[%select_n3A, %select_n3A_272, %dma_start3A_294, %mul3A_290] : memref<2x8x8x3200xf32, #tpu.memory_space<hbm>> -> memref<1x1x8x1600xf32, #tpu.memory_space<hbm>>
      %dma_start3A_296 = tpu.memref_squeeze %dma_start3A_295 : memref<1x1x8x1600xf32, #tpu.memory_space<hbm>> -> memref<8x1600xf32, #tpu.memory_space<hbm>>
      tpu.enqueue_dma source(%arg7 : memref<8x1600xf32, #tpu.memory_space<vmem>>) target(%dma_start3A_296 : memref<8x1600xf32, #tpu.memory_space<hbm>>) target_semaphore(%run_scoped3A : memref<!tpu.dma_semaphore, #tpu.memory_space<semaphore_mem>>)
      %dma_wait3A_297 = arith.constant 0 : i32
      %dma_wait3A_298 = tpu.memref_slice %arg4[%select_n3A, %select_n3A_272, %dma_wait3A_297, %mul3A_290] : memref<2x8x8x3200xf32, #tpu.memory_space<hbm>> -> memref<1x1x8x1600xf32, #tpu.memory_space<hbm>>
      %dma_wait3A_299 = tpu.memref_squeeze %dma_wait3A_298 : memref<1x1x8x1600xf32, #tpu.memory_space<hbm>> -> memref<8x1600xf32, #tpu.memory_space<hbm>>
      %dma_wait3A_300 = arith.constant 0 : i32
      %dma_wait3A_301 = tpu.memref_slice %arg4[%select_n3A, %select_n3A_272, %dma_wait3A_300, %mul3A_290] : memref<2x8x8x3200xf32, #tpu.memory_space<hbm>> -> memref<1x1x8x1600xf32, #tpu.memory_space<hbm>>
      %dma_wait3A_302 = tpu.memref_squeeze %dma_wait3A_301 : memref<1x1x8x1600xf32, #tpu.memory_space<hbm>> -> memref<8x1600xf32, #tpu.memory_space<hbm>>
      tpu.wait_dma2 semaphore(%run_scoped3A : memref<!tpu.dma_semaphore, #tpu.memory_space<semaphore_mem>>) src(%arg7 : memref<8x1600xf32, #tpu.memory_space<vmem>>) dst(%dma_wait3A_302 : memref<8x1600xf32, #tpu.memory_space<hbm>>)
      tpu.yield
    }) : () -> ()
    return
  }
}

module attributes {stable_mosaic.version = 14 : i64} {
  func.func @_dense_body(%arg0: i32, %arg1: i32, %arg2: memref<1x1x8x640xf32, #tpu.memory_space<vmem>>, %arg3: memref<1x1x8x640xf32, #tpu.memory_space<vmem>>, %arg4: memref<1x1x8x3200xf32, #tpu.memory_space<vmem>>, %arg5: memref<1x1x8x3200xf32, #tpu.memory_space<vmem>>, %arg6: memref<1x16x75xf32, #tpu.memory_space<vmem>>, %arg7: memref<1x16x75xf32, #tpu.memory_space<vmem>>, %arg8: memref<1x1x128xf32, #tpu.memory_space<vmem>>, %arg9: memref<3200x75xf32, #tpu.memory_space<vmem>>) attributes {dimension_semantics = [#tpu.dimension_semantics<arbitrary>, #tpu.dimension_semantics<arbitrary>], iteration_bounds = array<i64: 8, 5>, scalar_prefetch = 0 : i64, scratch_operands = 1 : i64, tpu.core_type = #tpu.core_type<tc>, window_params = [{transform_indices = @transform_0, window_bounds = array<i64: 1, 1, 8, 640>}, {transform_indices = @transform_1, window_bounds = array<i64: 1, 1, 8, 640>}, {transform_indices = @transform_2, window_bounds = array<i64: 1, 1, 8, 3200>}, {transform_indices = @transform_3, window_bounds = array<i64: 1, 1, 8, 3200>}, {transform_indices = @transform_4, window_bounds = array<i64: 1, 16, 75>}, {transform_indices = @transform_5, window_bounds = array<i64: 1, 16, 75>}, {transform_indices = @transform_6, window_bounds = array<i64: 1, 1, 128>}]} {
    %eq3A = arith.constant 0 : i32
    %eq3A_0 = arith.cmpi eq, %arg0, %eq3A : i32
    %eq3A_1 = arith.constant 0 : i32
    %eq3A_2 = arith.cmpi eq, %arg1, %eq3A_1 : i32
    %and3A = arith.andi %eq3A_0, %eq3A_2 : i1
    %convert_element_type3A = arith.extui %and3A : i1 to i32
    %cond3A = arith.constant 0 : i32
    %cond3A_3 = arith.cmpi ne, %convert_element_type3A, %cond3A : i32
    scf.if %cond3A_3 {
      %iota3A = tpu.iota {dimensions = array<i32: 0>} : vector<3200x75xi32>
      %jit3A = arith.constant 40 : i32
      %div3A = vector.broadcast %jit3A : i32 to vector<3200x75xi32>
      %div3A_112 = arith.divsi %iota3A, %div3A : vector<3200x75xi32>
      %sign3A = arith.constant 0 : i32
      %sign3A_113 = vector.broadcast %sign3A : i32 to vector<3200x75xi32>
      %sign3A_114 = arith.cmpi sgt, %iota3A, %sign3A_113 : vector<3200x75xi32>
      %sign3A_115 = arith.extui %sign3A_114 : vector<3200x75xi1> to vector<3200x75xi32>
      %sign3A_116 = arith.constant 0 : i32
      %sign3A_117 = vector.broadcast %sign3A_116 : i32 to vector<3200x75xi32>
      %sign3A_118 = arith.cmpi slt, %iota3A, %sign3A_117 : vector<3200x75xi32>
      %sign3A_119 = arith.extui %sign3A_118 : vector<3200x75xi1> to vector<3200x75xi32>
      %sign3A_120 = arith.subi %sign3A_115, %sign3A_119 : vector<3200x75xi32>
      %sign3A_121 = arith.constant 0 : i32
      %sign3A_122 = arith.cmpi sgt, %jit3A, %sign3A_121 : i32
      %sign3A_123 = arith.extui %sign3A_122 : i1 to i32
      %sign3A_124 = arith.constant 0 : i32
      %sign3A_125 = arith.cmpi slt, %jit3A, %sign3A_124 : i32
      %sign3A_126 = arith.extui %sign3A_125 : i1 to i32
      %sign3A_127 = arith.subi %sign3A_123, %sign3A_126 : i32
      %ne3A_128 = vector.broadcast %sign3A_127 : i32 to vector<3200x75xi32>
      %ne3A_129 = arith.cmpi ne, %sign3A_120, %ne3A_128 : vector<3200x75xi32>
      %rem3A = vector.broadcast %jit3A : i32 to vector<3200x75xi32>
      %rem3A_130 = arith.remsi %iota3A, %rem3A : vector<3200x75xi32>
      %ne3A_131 = arith.constant 0 : i32
      %ne3A_132 = vector.broadcast %ne3A_131 : i32 to vector<3200x75xi32>
      %ne3A_133 = arith.cmpi ne, %rem3A_130, %ne3A_132 : vector<3200x75xi32>
      %and3A_134 = arith.andi %ne3A_129, %ne3A_133 : vector<3200x75xi1>
      %sub3A = arith.constant 1 : i32
      %sub3A_135 = vector.broadcast %sub3A : i32 to vector<3200x75xi32>
      %sub3A_136 = arith.subi %div3A_112, %sub3A_135 : vector<3200x75xi32>
      %select_n3A = arith.select %and3A_134, %sub3A_136, %div3A_112 : vector<3200x75xi1>, vector<3200x75xi32>
      %iota3A_137 = tpu.iota {dimensions = array<i32: 1>} : vector<3200x75xi32>
      %eq3A_138 = arith.cmpi eq, %select_n3A, %iota3A_137 : vector<3200x75xi32>
      %convert_element_type3A_139 = arith.extui %eq3A_138 : vector<3200x75xi1> to vector<3200x75xi32>
      %convert_element_type3A_140 = arith.sitofp %convert_element_type3A_139 : vector<3200x75xi32> to vector<3200x75xf32>
      %swap3A_141 = arith.constant 0 : index
      %swap3A_142 = arith.constant 0 : index
      %swap3A_143 = vector.load %arg9[%swap3A_141, %swap3A_142] : memref<3200x75xf32, #tpu.memory_space<vmem>>, vector<3200x75xf32>
      tpu.vector_store %arg9[%swap3A_141, %swap3A_142], %convert_element_type3A_140 {strides = array<i32>} : memref<3200x75xf32, #tpu.memory_space<vmem>>, vector<3200x75xf32>,
    } else {
    }
    %eq3A_4 = arith.constant 0 : i32
    %eq3A_5 = arith.cmpi eq, %arg1, %eq3A_4 : i32
    %convert_element_type3A_6 = arith.extui %eq3A_5 : i1 to i32
    %cond3A_7 = arith.constant 0 : i32
    %cond3A_8 = arith.cmpi ne, %convert_element_type3A_6, %cond3A_7 : i32
    scf.if %cond3A_8 {
      %broadcast_in_dim3A_112 = arith.constant 0.000000e+00 : f32
      %broadcast_in_dim3A_113 = vector.broadcast %broadcast_in_dim3A_112 : f32 to vector<1x1x128xf32>
      %swap3A_114 = arith.constant 0 : index
      %swap3A_115 = arith.constant 0 : index
      %swap3A_116 = arith.constant 0 : index
      %swap3A_117 = vector.load %arg8[%swap3A_114, %swap3A_115, %swap3A_116] : memref<1x1x128xf32, #tpu.memory_space<vmem>>, vector<1x1x128xf32>
      tpu.vector_store %arg8[%swap3A_114, %swap3A_115, %swap3A_116], %broadcast_in_dim3A_113 {strides = array<i32>} : memref<1x1x128xf32, #tpu.memory_space<vmem>>, vector<1x1x128xf32>,
    } else {
    }
    %get3A = arith.constant 0 : index
    %get3A_9 = arith.constant 0 : index
    %get3A_10 = arith.constant 0 : index
    %get3A_11 = arith.constant 0 : index
    %get3A_12 = vector.load %arg2[%get3A, %get3A_9, %get3A_10, %get3A_11] : memref<1x1x8x640xf32, #tpu.memory_space<vmem>>, vector<1x1x8x640xf32>
    %get3A_13 = vector.shape_cast %get3A_12 : vector<1x1x8x640xf32> to vector<1x8x640xf32>
    %squeeze3A = vector.shape_cast %get3A_13 : vector<1x8x640xf32> to vector<8x640xf32>
    %slice3A = vector.extract_strided_slice %squeeze3A {offsets = [0, 0], sizes = [3, 640], strides = [1, 1]} : vector<8x640xf32> to vector<3x640xf32>
    %mul3A = arith.constant -2.000000e+00 : f32
    %mul3A_14 = vector.broadcast %mul3A : f32 to vector<3x640xf32>
    %mul3A_15 = arith.mulf %mul3A_14, %slice3A : vector<3x640xf32>
    %slice3A_16 = vector.extract_strided_slice %squeeze3A {offsets = [4, 0], sizes = [1, 640], strides = [1, 1]} : vector<8x640xf32> to vector<1x640xf32>
    %slice3A_17 = vector.extract_strided_slice %squeeze3A {offsets = [3, 0], sizes = [1, 640], strides = [1, 1]} : vector<8x640xf32> to vector<1x640xf32>
    %broadcast_in_dim3A = arith.constant 0.000000e+00 : f32
    %broadcast_in_dim3A_18 = vector.broadcast %broadcast_in_dim3A : f32 to vector<3x640xf32>
    %concatenate3A = tpu.concatenate %mul3A_15, %slice3A_16, %slice3A_17, %broadcast_in_dim3A_18 in 0 : vector<3x640xf32>, vector<1x640xf32>, vector<1x640xf32>, vector<3x640xf32> -> vector<8x640xf32>
    %get3A_19 = arith.constant 0 : index
    %get3A_20 = arith.constant 0 : index
    %get3A_21 = arith.constant 0 : index
    %get3A_22 = arith.constant 0 : index
    %get3A_23 = vector.load %arg5[%get3A_19, %get3A_20, %get3A_21, %get3A_22] : memref<1x1x8x3200xf32, #tpu.memory_space<vmem>>, vector<1x1x8x3200xf32>
    %get3A_24 = vector.shape_cast %get3A_23 : vector<1x1x8x3200xf32> to vector<1x8x3200xf32>
    %squeeze3A_25 = vector.shape_cast %get3A_24 : vector<1x8x3200xf32> to vector<8x3200xf32>
    %dot_general3A = arith.constant dense<0.000000e+00> : vector<640x3200xf32>
    %dot_general3A_26 = tpu.matmul %concatenate3A, %squeeze3A_25, %dot_general3A {dimension_numbers = #tpu.dot_dimension_numbers<[0], [0], [1], [1], [0, 1, 1, 1], [], []>, transpose_lhs_hint = false} : vector<8x640xf32>, vector<8x3200xf32>, vector<640x3200xf32> -> vector<640x3200xf32>
    %max3A = arith.constant 9.99999996E-13 : f32
    %max3A_27 = vector.broadcast %max3A : f32 to vector<640x3200xf32>
    %max3A_28 = arith.maximumf %dot_general3A_26, %max3A_27 : vector<640x3200xf32>
    %reshape3A = vector.shape_cast %max3A_28 : vector<640x3200xf32> to vector<16x40x3200xf32>
    %reduce_min3A = arith.constant dense<0x7F800000> : vector<16x3200xf32>
    %reduce_min3A_29 = vector.multi_reduction <minimumf>, %reshape3A, %reduce_min3A [1] : vector<16x40x3200xf32> to vector<16x3200xf32>
    %get3A_30 = arith.constant 0 : index
    %get3A_31 = arith.constant 0 : index
    %get3A_32 = vector.load %arg9[%get3A_30, %get3A_31] : memref<3200x75xf32, #tpu.memory_space<vmem>>, vector<3200x75xf32>
    %dot_general3A_33 = arith.constant dense<0.000000e+00> : vector<16x75xf32>
    %dot_general3A_34 = tpu.matmul %reduce_min3A_29, %get3A_32, %dot_general3A_33 {dimension_numbers = #tpu.dot_dimension_numbers<[1], [0], [0], [1], [0, 0, 1, 1], [], []>, transpose_lhs_hint = false} : vector<16x3200xf32>, vector<3200x75xf32>, vector<16x75xf32> -> vector<16x75xf32>
    %get3A_35 = arith.constant 0 : index
    %get3A_36 = arith.constant 0 : index
    %get3A_37 = arith.constant 0 : index
    %get3A_38 = vector.load %arg6[%get3A_35, %get3A_36, %get3A_37] : memref<1x16x75xf32, #tpu.memory_space<vmem>>, vector<1x16x75xf32>
    %get3A_39 = vector.shape_cast %get3A_38 : vector<1x16x75xf32> to vector<16x75xf32>
    %ne3A = arith.constant 0.000000e+00 : f32
    %ne3A_40 = vector.broadcast %ne3A : f32 to vector<16x75xf32>
    %ne3A_41 = arith.cmpf one, %get3A_39, %ne3A_40 : vector<16x75xf32>
    %convert_element_type3A_42 = arith.extui %ne3A_41 : vector<16x75xi1> to vector<16x75xi32>
    %convert_element_type3A_43 = arith.sitofp %convert_element_type3A_42 : vector<16x75xi32> to vector<16x75xf32>
    %mul3A_44 = arith.mulf %dot_general3A_34, %convert_element_type3A_43 : vector<16x75xf32>
    %reduce_sum3A = vector.shape_cast %mul3A_44 : vector<16x75xf32> to vector<1x16x75xf32>
    %reduce_sum3A_45 = arith.constant dense<0.000000e+00> : vector<1xf32>
    %reduce_sum3A_46 = vector.multi_reduction <add>, %reduce_sum3A, %reduce_sum3A_45 [1, 2] : vector<1x16x75xf32> to vector<1xf32>
    %reduce_sum3A_47 = vector.shape_cast %reduce_sum3A_46 : vector<1xf32> to vector<1x1x1xf32>
    %reduce_sum3A_48 = vector.extract %reduce_sum3A_47[0, 0, 0] : f32 from vector<1x1x1xf32>
    %get3A_49 = arith.constant 0 : index
    %get3A_50 = arith.constant 0 : index
    %get3A_51 = arith.constant 0 : index
    %get3A_52 = arith.constant 0 : index
    %get3A_53 = vector.load %arg3[%get3A_49, %get3A_50, %get3A_51, %get3A_52] : memref<1x1x8x640xf32, #tpu.memory_space<vmem>>, vector<1x1x8x640xf32>
    %get3A_54 = vector.shape_cast %get3A_53 : vector<1x1x8x640xf32> to vector<1x8x640xf32>
    %squeeze3A_55 = vector.shape_cast %get3A_54 : vector<1x8x640xf32> to vector<8x640xf32>
    %slice3A_56 = vector.extract_strided_slice %squeeze3A_55 {offsets = [0, 0], sizes = [3, 640], strides = [1, 1]} : vector<8x640xf32> to vector<3x640xf32>
    %mul3A_57 = arith.constant -2.000000e+00 : f32
    %mul3A_58 = vector.broadcast %mul3A_57 : f32 to vector<3x640xf32>
    %mul3A_59 = arith.mulf %mul3A_58, %slice3A_56 : vector<3x640xf32>
    %slice3A_60 = vector.extract_strided_slice %squeeze3A_55 {offsets = [4, 0], sizes = [1, 640], strides = [1, 1]} : vector<8x640xf32> to vector<1x640xf32>
    %slice3A_61 = vector.extract_strided_slice %squeeze3A_55 {offsets = [3, 0], sizes = [1, 640], strides = [1, 1]} : vector<8x640xf32> to vector<1x640xf32>
    %broadcast_in_dim3A_62 = arith.constant 0.000000e+00 : f32
    %broadcast_in_dim3A_63 = vector.broadcast %broadcast_in_dim3A_62 : f32 to vector<3x640xf32>
    %concatenate3A_64 = tpu.concatenate %mul3A_59, %slice3A_60, %slice3A_61, %broadcast_in_dim3A_63 in 0 : vector<3x640xf32>, vector<1x640xf32>, vector<1x640xf32>, vector<3x640xf32> -> vector<8x640xf32>
    %get3A_65 = arith.constant 0 : index
    %get3A_66 = arith.constant 0 : index
    %get3A_67 = arith.constant 0 : index
    %get3A_68 = arith.constant 0 : index
    %get3A_69 = vector.load %arg4[%get3A_65, %get3A_66, %get3A_67, %get3A_68] : memref<1x1x8x3200xf32, #tpu.memory_space<vmem>>, vector<1x1x8x3200xf32>
    %get3A_70 = vector.shape_cast %get3A_69 : vector<1x1x8x3200xf32> to vector<1x8x3200xf32>
    %squeeze3A_71 = vector.shape_cast %get3A_70 : vector<1x8x3200xf32> to vector<8x3200xf32>
    %dot_general3A_72 = arith.constant dense<0.000000e+00> : vector<640x3200xf32>
    %dot_general3A_73 = tpu.matmul %concatenate3A_64, %squeeze3A_71, %dot_general3A_72 {dimension_numbers = #tpu.dot_dimension_numbers<[0], [0], [1], [1], [0, 1, 1, 1], [], []>, transpose_lhs_hint = false} : vector<8x640xf32>, vector<8x3200xf32>, vector<640x3200xf32> -> vector<640x3200xf32>
    %max3A_74 = arith.constant 9.99999996E-13 : f32
    %max3A_75 = vector.broadcast %max3A_74 : f32 to vector<640x3200xf32>
    %max3A_76 = arith.maximumf %dot_general3A_73, %max3A_75 : vector<640x3200xf32>
    %reshape3A_77 = vector.shape_cast %max3A_76 : vector<640x3200xf32> to vector<16x40x3200xf32>
    %reduce_min3A_78 = arith.constant dense<0x7F800000> : vector<16x3200xf32>
    %reduce_min3A_79 = vector.multi_reduction <minimumf>, %reshape3A_77, %reduce_min3A_78 [1] : vector<16x40x3200xf32> to vector<16x3200xf32>
    %get3A_80 = arith.constant 0 : index
    %get3A_81 = arith.constant 0 : index
    %get3A_82 = vector.load %arg9[%get3A_80, %get3A_81] : memref<3200x75xf32, #tpu.memory_space<vmem>>, vector<3200x75xf32>
    %dot_general3A_83 = arith.constant dense<0.000000e+00> : vector<16x75xf32>
    %dot_general3A_84 = tpu.matmul %reduce_min3A_79, %get3A_82, %dot_general3A_83 {dimension_numbers = #tpu.dot_dimension_numbers<[1], [0], [0], [1], [0, 0, 1, 1], [], []>, transpose_lhs_hint = false} : vector<16x3200xf32>, vector<3200x75xf32>, vector<16x75xf32> -> vector<16x75xf32>
    %get3A_85 = arith.constant 0 : index
    %get3A_86 = arith.constant 0 : index
    %get3A_87 = arith.constant 0 : index
    %get3A_88 = vector.load %arg7[%get3A_85, %get3A_86, %get3A_87] : memref<1x16x75xf32, #tpu.memory_space<vmem>>, vector<1x16x75xf32>
    %get3A_89 = vector.shape_cast %get3A_88 : vector<1x16x75xf32> to vector<16x75xf32>
    %ne3A_90 = arith.constant 0.000000e+00 : f32
    %ne3A_91 = vector.broadcast %ne3A_90 : f32 to vector<16x75xf32>
    %ne3A_92 = arith.cmpf one, %get3A_89, %ne3A_91 : vector<16x75xf32>
    %convert_element_type3A_93 = arith.extui %ne3A_92 : vector<16x75xi1> to vector<16x75xi32>
    %convert_element_type3A_94 = arith.sitofp %convert_element_type3A_93 : vector<16x75xi32> to vector<16x75xf32>
    %mul3A_95 = arith.mulf %dot_general3A_84, %convert_element_type3A_94 : vector<16x75xf32>
    %reduce_sum3A_96 = vector.shape_cast %mul3A_95 : vector<16x75xf32> to vector<1x16x75xf32>
    %reduce_sum3A_97 = arith.constant dense<0.000000e+00> : vector<1xf32>
    %reduce_sum3A_98 = vector.multi_reduction <add>, %reduce_sum3A_96, %reduce_sum3A_97 [1, 2] : vector<1x16x75xf32> to vector<1xf32>
    %reduce_sum3A_99 = vector.shape_cast %reduce_sum3A_98 : vector<1xf32> to vector<1x1x1xf32>
    %reduce_sum3A_100 = vector.extract %reduce_sum3A_99[0, 0, 0] : f32 from vector<1x1x1xf32>
    %add3A = arith.addf %reduce_sum3A_48, %reduce_sum3A_100 : f32
    %get3A_101 = arith.constant 0 : index
    %get3A_102 = arith.constant 0 : index
    %get3A_103 = arith.constant 0 : index
    %get3A_104 = vector.load %arg8[%get3A_101, %get3A_102, %get3A_103] : memref<1x1x128xf32, #tpu.memory_space<vmem>>, vector<1x1x128xf32>
    %mul3A_105 = arith.constant 2.500000e-02 : f32
    %mul3A_106 = arith.mulf %add3A, %mul3A_105 : f32
    %add3A_107 = vector.broadcast %mul3A_106 : f32 to vector<1x1x128xf32>
    %add3A_108 = arith.addf %get3A_104, %add3A_107 : vector<1x1x128xf32>
    %swap3A = arith.constant 0 : index
    %swap3A_109 = arith.constant 0 : index
    %swap3A_110 = arith.constant 0 : index
    %swap3A_111 = vector.load %arg8[%swap3A, %swap3A_109, %swap3A_110] : memref<1x1x128xf32, #tpu.memory_space<vmem>>, vector<1x1x128xf32>
    tpu.vector_store %arg8[%swap3A, %swap3A_109, %swap3A_110], %add3A_108 {strides = array<i32>} : memref<1x1x128xf32, #tpu.memory_space<vmem>>, vector<1x1x128xf32>,
    return
  }
  func.func @transform_0(%arg0: i32, %arg1: i32) -> (i32, i32, i32, i32) {
    %c0_i32 = arith.constant 0 : i32
    %c0_i32_0 = arith.constant 0 : i32
    %c0_i32_1 = arith.constant 0 : i32
    return %c0_i32, %arg0, %c0_i32_0, %arg1 : i32, i32, i32, i32
  }
  func.func @transform_1(%arg0: i32, %arg1: i32) -> (i32, i32, i32, i32) {
    %c1_i32 = arith.constant 1 : i32
    %c0_i32 = arith.constant 0 : i32
    %c0_i32_0 = arith.constant 0 : i32
    return %c1_i32, %arg0, %c0_i32, %arg1 : i32, i32, i32, i32
  }
  func.func @transform_2(%arg0: i32, %arg1: i32) -> (i32, i32, i32, i32) {
    %c0_i32 = arith.constant 0 : i32
    %c0_i32_0 = arith.constant 0 : i32
    %c0_i32_1 = arith.constant 0 : i32
    %c0_i32_2 = arith.constant 0 : i32
    return %c0_i32, %arg0, %c0_i32_0, %c0_i32_1 : i32, i32, i32, i32
  }
  func.func @transform_3(%arg0: i32, %arg1: i32) -> (i32, i32, i32, i32) {
    %c1_i32 = arith.constant 1 : i32
    %c0_i32 = arith.constant 0 : i32
    %c0_i32_0 = arith.constant 0 : i32
    %c0_i32_1 = arith.constant 0 : i32
    return %c1_i32, %arg0, %c0_i32, %c0_i32_0 : i32, i32, i32, i32
  }
  func.func @transform_4(%arg0: i32, %arg1: i32) -> (i32, i32, i32) {
    %mul3A = arith.constant 5 : i32
    %mul3A_0 = arith.muli %arg0, %mul3A : i32
    %add3A = arith.addi %mul3A_0, %arg1 : i32
    %c0_i32 = arith.constant 0 : i32
    %c0_i32_1 = arith.constant 0 : i32
    %c0_i32_2 = arith.constant 0 : i32
    return %add3A, %c0_i32, %c0_i32_1 : i32, i32, i32
  }
  func.func @transform_5(%arg0: i32, %arg1: i32) -> (i32, i32, i32) {
    %mul3A = arith.constant 5 : i32
    %mul3A_0 = arith.muli %arg0, %mul3A : i32
    %add3A = arith.addi %mul3A_0, %arg1 : i32
    %c0_i32 = arith.constant 0 : i32
    %c0_i32_1 = arith.constant 0 : i32
    %c0_i32_2 = arith.constant 0 : i32
    return %add3A, %c0_i32, %c0_i32_1 : i32, i32, i32
  }
  func.func @transform_6(%arg0: i32, %arg1: i32) -> (i32, i32, i32) {
    %c0_i32 = arith.constant 0 : i32
    %c0_i32_0 = arith.constant 0 : i32
    %c0_i32_1 = arith.constant 0 : i32
    return %arg0, %c0_i32, %c0_i32_0 : i32, i32, i32
  }
}

</mosaic_0001>

<sc_bundles>
// kernel: kernel.5.cloned.1.call-start
scs
__scs_entry_jumppad:
0x0: {  	(pc) =	sbr.rel $0x88, $3  }
0x1: {  	(tag) =	ssettag $0x0;
	lr =	simm.s32 $0x1  }
0x2: {  	[smem:$0x3F9D] =	sst lr;
	_ =	strace $0xD0000000  }
0x3: {  	_ = 	snop  }
0x4: {  	_ = 	snop  }
0x5: {  	_ = 	snop  }
0x6: {  	_ = 	snop  }
0x7: {  	_ = 	snop  }
__scs_overlays_trampoline_lowered:
0x8: {  	[smem:$0x3FAC] =	sst s0  }
0x9: {  	[smem:$0x3FAD] =	sst s1  }
0xa: {  	[smem:$0x3FAE] =	sst s2  }
0xb: {  	[smem:$0x3FAF] =	sst s3  }
0xc: {  	[smem:$0x3FB0] =	sst s4  }
0xd: {  	[smem:$0x3FB1] =	sst s5  }
0xe: {  	[smem:$0x3FB2] =	sst s6  }
0xf: {  	[smem:$0x3FB3] =	sst s7  }
0x10: {  	[smem:$0x3FB4] =	sst s8  }
0x11: {  	[smem:$0x3FB5] =	sst s9;
	s0 =	simm.s32 @!p0 $0x0  }
0x12: {  	s1 =	sld [smem:$0x3F9B];
	s0 =	simm.s32 @p0 $0x1  }
0x13: {  	[smem:$0x3FB6] =	sst s0;
	s0 =	simm.s32 @!p1 $0x0  }
0x14: {  	s2 =	sld [smem:$0x3F9A];
	s0 =	simm.s32 @p1 $0x1  }
0x15: {  	[smem:$0x3FB7] =	sst s0;
	s0 =	simm.s32 @!p2 $0x0  }
0x16: {  	s3 =	sld [smem:$0x3FDB];
	s0 =	simm.s32 @p2 $0x1  }
0x17: {  	s4 =	simm.s32 $0x1BF5;
	[smem:$0x3FB9] =	sst s0  }
0x18: {  	s0 =	sld [smem:$0x3F9C];
	_ =	swait.ge [sflag:s4], $0x0  }
0x19: {  	s7 =	sld [smem:$0x3F9D]  }
0x1a: {  	s8 =	sadd.s32 $0xFFFFE003, lr  }
0x1b: {  	s9 =	sadd.s32 $0xFFFFFEF7, lr;
	s5 =	simm.s32 $0xFFFFFFFF;
	p2 =	slt.u32 s8, $0xFFFFF086  }
0x1c: {  	p1 =	slt.u32 s9, $0xF7A;
	s5 =	simm.s32 @!p2 $0x0  }
0x1d: {  	s5 =	simm.s32 @p1 $0x1;
	p0 =	seq.s32 s7, s2  }
0x1e: {  	s7 =	smul.u32 @!p0 $0xF7A, s2;
	p2 =	seq.s32 @!p0 s5, $0x0  }
0x1f: {  	s9 =	smul.u32 $0xF7A, s1;
	s8 =	simm.s32 @!p0 $0x1BF5;
	p2 =	por !p2, p0  }
0x20: {  	[sflag:s8] =	ssyncset.s32 @!p0 $0xFFFFF086;
	s6 =	sadd.s32 @!p0 s3, s7;
	s7 =	simm.s32 @!p0 $0x108  }
0x21: {  	s3 =	sadd.s32 s3, s9;
	s6 =	sadd.s32 @!p0 $0x88, s6;
	s7 =	simm.s32 @p2 $0x1082  }
0x22: {  	[simem:s7], [sflag:s8] =	dma.local @!p0 [hbm:s6], $0xF7A  }
0x23: {  	s9 =	sor.u32 $0xD0000000, s2;
	s6 =	simm.s32 $0x108;
	_ =	swait.ge @!p0 [sflag:s8], $0x0  }
0x24: {  	s3 =	sadd.s32 $0x88, s3;
	s6 =	simm.s32 @!p1 $0x1082;
	[sflag:s4] =	ssyncset.s32 $0xFFFFF086  }
0x25: {  	[simem:s6], [sflag:s4] =	dma.local [hbm:s3], $0xF7A  }
0x26: {  	[smem:$0x3F9D] =	sst s1;
	(tag) =	ssettag s2;
	_ =	strace s9  }
0x27: {  	s1 =	sld [smem:$0x3FAD]  }
0x28: {  	s2 =	sld [smem:$0x3FAE]  }
0x29: {  	s4 =	sld [smem:$0x3FB0]  }
0x2a: {  	p0 =	seq.s32 s5, $0x0;
	s5 =	sld [smem:$0x3FB1]  }
0x2b: {  	s6 =	sld [smem:$0x3FB2]  }
0x2c: {  	s7 =	sld [smem:$0x3FB3]  }
0x2d: {  	s3 =	simm.s32 $0x108;
	s8 =	sld [smem:$0x3FB4]  }
0x2e: {  	s3 =	simm.s32 @!p0 $0x1082;
	s9 =	sld [smem:$0x3FB5]  }
0x2f: {  	lr =	sadd.s32 s0, s3;
	s0 =	sld [smem:$0x3FAC]  }
0x30: {  	s3 =	sld [smem:$0x3FAF]  }
0x31: {  	[smem:$0x3FB8] =	sst s10  }
0x32: {  	s10 =	sld [smem:$0x3FB6];
	_ =	sdelay $0x3  }
0x33: {  	p0 =	seq.s32 s10, $0x1;
	s10 =	sld [smem:$0x3FB8];
	_ =	sdelay $0x3  }
0x34: {  	[smem:$0x3FB8] =	sst s10  }
0x35: {  	s10 =	sld [smem:$0x3FB7];
	_ =	sdelay $0x3  }
0x36: {  	p1 =	seq.s32 s10, $0x1;
	s10 =	sld [smem:$0x3FB8];
	_ =	sdelay $0x3  }
0x37: {  	[smem:$0x3FB8] =	sst s10  }
0x38: {  	s10 =	sld [smem:$0x3FB9]  }
0x39: {  	_ = 	snop;
	(pc) =	sbr.ind lr, $3  }
0x3a: {  	_ = 	snop  }
0x3b: {  	_ = 	snop  }
0x3c: {  	p2 =	seq.s32 s10, $0x1;
	s10 =	sld [smem:$0x3FB8]  }
0x3d: {  	_ =	shalt  }
0x3e: {  	_ =	shalt  }
0x3f: {  	_ =	shalt  }
0x40: {  	_ =	shalt  }
0x41: {  	_ =	shalt  }
0x42: {  	_ =	shalt  }
0x43: {  	_ =	shalt  }
0x44: {  	_ =	shalt  }
0x45: {  	_ =	shalt  }
0x46: {  	_ =	shalt  }
0x47: {  	_ =	shalt  }
0x48: {  	_ =	shalt  }
0x49: {  	_ =	shalt  }
0x4a: {  	_ =	shalt  }
0x4b: {  	_ =	shalt  }
0x4c: {  	_ =	shalt  }
0x4d: {  	_ =	shalt  }
0x4e: {  	_ =	shalt  }
0x4f: {  	_ =	shalt  }
0x50: {  	_ =	shalt  }
0x51: {  	_ =	shalt  }
0x52: {  	_ =	shalt  }
0x53: {  	_ =	shalt  }
0x54: {  	_ =	shalt  }
0x55: {  	_ =	shalt  }
0x56: {  	_ =	shalt  }
0x57: {  	_ =	shalt  }
0x58: {  	_ =	shalt  }
0x59: {  	_ =	shalt  }
0x5a: {  	_ =	shalt  }
0x5b: {  	_ =	shalt  }
0x5c: {  	_ =	shalt  }
0x5d: {  	_ =	shalt  }
0x5e: {  	_ =	shalt  }
0x5f: {  	_ =	shalt  }
0x60: {  	_ =	shalt  }
0x61: {  	_ =	shalt  }
0x62: {  	_ =	shalt  }
0x63: {  	_ =	shalt  }
0x64: {  	_ =	shalt  }
0x65: {  	_ =	shalt  }
0x66: {  	_ =	shalt  }
0x67: {  	_ =	shalt  }
0x68: {  	_ =	shalt  }
0x69: {  	_ =	shalt  }
0x6a: {  	_ =	shalt  }
0x6b: {  	_ =	shalt  }
0x6c: {  	_ =	shalt  }
0x6d: {  	_ =	shalt  }
0x6e: {  	_ =	shalt  }
0x6f: {  	_ =	shalt  }
0x70: {  	_ =	shalt  }
0x71: {  	_ =	shalt  }
0x72: {  	_ =	shalt  }
0x73: {  	_ =	shalt  }
0x74: {  	_ =	shalt  }
0x75: {  	_ =	shalt  }
0x76: {  	_ =	shalt  }
0x77: {  	_ =	shalt  }
0x78: {  	_ =	shalt  }
0x79: {  	_ =	shalt  }
0x7a: {  	_ =	shalt  }
0x7b: {  	_ =	shalt  }
0x7c: {  	_ =	shalt  }
0x7d: {  	_ =	shalt  }
0x7e: {  	_ =	shalt  }
0x7f: {  	_ =	shalt  }
0x80: {  	_ =	shalt  }
0x81: {  	_ =	shalt  }
0x82: {  	_ =	shalt  }
0x83: {  	_ =	shalt  }
0x84: {  	_ =	shalt  }
0x85: {  	_ =	shalt  }
0x86: {  	_ =	shalt  }
0x87: {  	_ =	shalt  }
.Lfunc_end0:
.L_simem_size_0:
called_computation_lowered:
.L_overlay_start_0:
0x88: {  	s2 =	sld [smem:$0x3FD9]  }
0x89: {  	s3 =	sld [smem:$0x3FFE];
	_ =	sdelay $0x1  }
0x8a: {  	s1 =	srdreg.scid  }
0x8b: {  	s0 =	sand.u32 $0x1, s1  }
0x8c: {  	s16 =	sshll.u32 s0, $0xA;
	s2 =	sadd.s32 s3, s2  }
0x8d: {  	s2 =	sadd.s32 s2, s16  }
0x8e: {  	[smem:$0x3FC4] =	sst s2  }
0x8f: {  	_ = 	snop  }
0x90: {  	(tm) =	ssettm $0x1  }
0x91: {  	s17 =	sld [smem:$0x3FFB];
	_ =	sdelay $0x3  }
0x92: {  	_ =	strace s17  }
0x93: {  	s2 =	sld [smem:$0x3FFC];
	_ =	sdelay $0x3  }
0x94: {  	_ =	strace s2  }
0x95: {  	s2 =	sld [smem:$0x3FFD];
	_ =	sdelay $0x3  }
0x96: {  	_ =	strace s2  }
0x97: {  	_ =	strace $0x8FFFFFFF  }
0x98: {  	s18 =	sld [smem:$0x3FDB];
	_ =	sdelay $0x1  }
0x99: {  	s19 =	simm.s32 $_scs_section_size  }
0x9a: {  	s4 =	simm.s32 $_size__tile_overlayer_lowered;
	s5 =	simm.s32 $_tile_overlayer_lowered  }
0x9b: {  	s22 =	simm.s32 $0x1BFF;
	s21 =	sshll.u32 s5, $0x1;
	s2 =	sadd.s32 s19, s18  }
0x9c: {  	s6 =	simm.s32 $0x0;
	s20 =	sshll.u32 s4, $0x1;
	s4 =	sadd.s32 s21, s2  }
0x9d: {  	[timem:s6], [sflag:s22] =	dma.local [hbm:s4], s20  }
0x9e: {  	_ =	swait.ge [sflag:s22], s20  }
0x9f: {  	s3 =	ssub.s32 $0x0, s20;
	[sflag:s22] =	ssyncset.done $0x0  }
0xa0: {  	[sflag:s22] =	ssyncadd.s32 s3;
	_ =	sdelay $0x1  }
0xa1: {  	s23 =	simm.s32 $0x1B8B  }
0xa2: {  	_ =	swait.ge [sflag:s23], $0x1  }
0xa3: {  	[sflag:s23] =	ssyncset.done $0x0  }
0xa4: {  	s25 =	simm.s32 $0x1B8E;
	s24 =	sld [smem:$0x3FFE];
	[sflag:s23] =	ssyncadd.s32 $0xFFFFFFFF  }
0xa5: {  	s26 =	simm.s32 $execute0_lowered;
	[smem:$0x3FD2] =	sst s25  }
0xa6: {  	s4 =	sshll.u32 s26, $0x1;
	_ =	strace $0x80000046;
	[dreg:$0x1] =	wrdreg $0xFFFFFFFF  }
0xa7: {  	s28 =	simm.s32 $_size_execute0_lowered;
	s2 =	sadd.s32 s2, s4;
	[dreg:$0x0] =	wrdreg $0x0  }
0xa8: {  	s4 =	sshll.u32 s28, $0x1;
	[dreg:$0x2] =	wrdreg s2  }
0xa9: {  	[dreg:$0x3] =	wrdreg s4  }
0xaa: {  	[dreg:$0x4] =	wrdreg $0xC0  }
0xab: {  	_ =	task [dreg:s6], $0x5FFFF  }
0xac: {  	[dreg:$0x1] =	wrdreg $0xFFFFFFFF  }
0xad: {  	[dreg:$0x0] =	wrdreg $0x60  }
0xae: {  	[dreg:$0x2] =	wrdreg s24  }
0xaf: {  	[dreg:$0x3] =	wrdreg $0x9  }
0xb0: {  	_ =	task.clear_ibuf [dreg:s6], $0x4FFFF;
	_ =	strace $0x90000046  }
0xb1: {  	s29 =	simm.s32 $0x9;
	_ =	strace $0x80000048  }
0xb2: {  	_ =	swait.ge [sflag:s29], $0x1  }
0xb3: {  	[sflag:s29] =	ssyncadd.s32 $0xFFFFFFFF  }
0xb4: {  	_ =	strace $0x90000048  }
0xb5: {  	_ =	sfence  }
0xb6: {  	s30 =	sld [smem:$0x0];
	_ =	sdelay $0x2  }
0xb7: {  	s31 =	sshll.u32 s1, $0xD;
	s1 =	sshrl.u32 s1, $0x2  }
0xb8: {  	s3 =	sand.u32 $0x4000, s31;
	s1 =	sadd.s32 s1, s30  }
0xb9: {  	s0 =	sor.u32 s3, s0;
	s1 =	sshll.u32 s1, $0x11  }
0xba: {  	s0 =	sor.u32 s1, s0  }
0xbb: {  	s0 =	sadd.s32 $0x8F2B, s0  }
0xbc: {  	[sflag:s0] =	ssyncadd.remote.s32 $0x1  }
0xbd: {  	_ =	sfence.sel $0xFFFF  }
0xbe: {  	[dreg:$0x0] =	wrdreg $0xFFFFFFFF;
	(pc) =	sbr.abs _section_cstart, $3  }
0xbf: {  	[dreg:$0x1] =	wrdreg $0xFFFFFFFF  }
0xc0: {  	_ =	task.clear_ibuf [dreg:s6], $0x2FFFF;
	_ =	strace $0x9FFFFFFF  }
0xc1: {  	(tm) =	ssettm $0x7FFFFFFF  }
tec
execute0_lowered:
.L_overlay_start_1:
0x0: {  	(tag) =	ssettag $0x1  }
0x1: {  	s1 =	srdreg.scid;
	s0 =	stileid.u32  }
0x2: {  	s4 =	rddreg [dreg:$0x0];
	s3 =	sand.u32 $0x1, s1;
	s30 =	sshll.u32 s0, $0x1  }
0x3: {  	s2 =	simm.s32 $0x0;
	s8 =	simm.s32 $0x0;
	s5 =	sor.u32 s3, s30  }
0x4: {  	s1 =	rddreg [dreg:$0x1];
	s3 =	ssub.s32 $0x2, s3;
	s6 =	smul.u32 $0x510, s5  }
0x5: {  	[smem:$0x7FF] =	sst s2;
	s5 =	smul.u32 $0xD80, s5;
	s7 =	sshrl.u32 s3, $0x1  }
0x6: {  	_ =	strace $0x80000047;
	s31 =	ssub.s32 s3, s7;
	s7 =	simm.s32 $0x2880  }
0x7: {  	s6 =	sadd.s32 s6, s4;
	s4 =	sadd.s32 s5, s4;
	s5 =	smax.u32 s31, $0x1  }
0x8: {  	v0 =	vlaneseq.u32;
	v1 =	vimm.f32 $0.0e+00;
	s3 =	sadd.s32 $0x800, s6;
	s4 =	sadd.s32 $0xAA00, s4;
	s6 =	simm.s32 $0x1  }
.LBB2_1:
0x9: {  	v2 =	vor.u32 s2, v0  }
0xa: {  	v3 =	vmul.u32 $0x3, v2;
	_ =	sdelay $0x1  }
0xb: {  	[tilespmem:s2], [sflag:$0x1] =	stream.linear.gather [hbm4b:s3+s2], $0x2880, $0x38;
	[tilespmem:$0x9480] =	vst v63  }
0xc: {  	_ =	swait.ge [sflag:s6], $0x2880  }
0xd: {  	[sflag:s6] =	ssyncset.done $0x0  }
0xe: {  	[sflag:s6] =	ssyncadd.s32 $0xFFFFD780  }
0xf: {  	v5 =	vshll.u32 v2, $0x3;
	v4 =	vld.idx.msk [tilespmem:v3+s2+$0x0], $0xffff  }
0x10: {  	v2 =	vadd.s32 $0x1, v3;
	_ =	sdelay $0x3  }
0x11: {  	[tilespmem:v5+s7+$0x0] =	vst.idx.msk $0xffff, v4  }
0x12: {  	v4 =	vor.u32 $0x1, v5;
	v2 =	vld.idx.msk [tilespmem:v2+s2+$0x0], $0xffff  }
0x13: {  	v3 =	vadd.s32 $0x2, v3;
	_ =	sdelay $0x3  }
0x14: {  	[tilespmem:v4+s7+$0x0] =	vst.idx.msk $0xffff, v2  }
0x15: {  	v2 =	vld.idx.msk [tilespmem:v3+s2+$0x0], $0xffff;
	v3 =	vor.u32 $0x2, v5  }
0x16: {  	v4 =	vor.u32 $0x3, v5;
	_ =	sdelay $0x1  }
0x17: {  	v6 =	vor.u32 $0x4, v5  }
0x18: {  	s9 =	simm.s32 $0x10;
	v7 =	vor.u32 $0x5, v5  }
0x19: {  	v8 =	vor.u32 $0x6, v5;
	[tilespmem:v3+s7+$0x0] =	vst.idx.msk $0xffff, v2;
	v3 =	vor.u32 s9, v0  }
0x1a: {  	[tilespmem:v4+s7+$0x0] =	vst.idx.msk $0xffff, v1;
	v2 =	vmul.u32 $0x3, v3;
	v4 =	vor.u32 $0x7, v5;
	_ =	sdelay $0x1  }
0x1b: {  	[tilespmem:v6+s7+$0x0] =	vst.idx.msk $0xffff, v1  }
0x1c: {  	[tilespmem:v7+s7+$0x0] =	vst.idx.msk $0xffff, v1  }
0x1d: {  	s9 =	simm.s32 $0x20;
	[tilespmem:v8+s7+$0x0] =	vst.idx.msk $0xffff, v1  }
.LBB2_2:
0x1e: {  	p0 =	sne.s32 s9, $0xD70;
	[tilespmem:v4+s7+$0x0] =	vst.idx.msk $0xffff, v1;
	s10 =	smov.u32 s9;
	s9 =	sadd.s32 $0x10, s9  }
0x1f: {  	v4 =	vld.idx.msk [tilespmem:v2+s2+$0x0], $0xffff  }
0x20: {  	v5 =	vshll.u32 v3, $0x3  }
0x21: {  	v3 =	vadd.s32 $0x1, v2;
	_ =	sdelay $0x3  }
0x22: {  	[tilespmem:v5+s7+$0x0] =	vst.idx.msk $0xffff, v4  }
0x23: {  	v3 =	vld.idx.msk [tilespmem:v3+s2+$0x0], $0xffff  }
0x24: {  	v4 =	vor.u32 $0x1, v5  }
0x25: {  	v2 =	vadd.s32 $0x2, v2;
	_ =	sdelay $0x3  }
0x26: {  	[tilespmem:v4+s7+$0x0] =	vst.idx.msk $0xffff, v3  }
0x27: {  	v4 =	vld.idx.msk [tilespmem:v2+s2+$0x0], $0xffff  }
0x28: {  	v6 =	vor.u32 $0x2, v5  }
0x29: {  	v7 =	vor.u32 $0x3, v5  }
0x2a: {  	v8 =	vor.u32 $0x4, v5  }
0x2b: {  	v9 =	vor.u32 $0x5, v5  }
0x2c: {  	v10 =	vor.u32 $0x6, v5;
	v3 =	vor.u32 s10, v0  }
.Ltmp0:
0x2d: {  	v2 =	vmul.u32 $0x3, v3;
	[tilespmem:v6+s7+$0x0] =	vst.idx.msk $0xffff, v4;
	v4 =	vor.u32 $0x7, v5;
	(pc) =	sbr.rel @p0 .LBB2_2-.Ltmp0, $4  }
0x2e: {  	[tilespmem:v7+s7+$0x0] =	vst.idx.msk $0xffff, v1  }
0x2f: {  	[tilespmem:v8+s7+$0x0] =	vst.idx.msk $0xffff, v1  }
0x30: {  	[tilespmem:v9+s7+$0x0] =	vst.idx.msk $0xffff, v1  }
0x31: {  	[tilespmem:v10+s7+$0x0] =	vst.idx.msk $0xffff, v1  }
0x32: {  	_ =	sdelay $0x3  }
0x33: {  	[tilespmem:v4+s7+$0x0] =	vst.idx.msk $0xffff, v1  }
0x34: {  	v3 =	vshll.u32 v3, $0x3;
	v4 =	vld.idx.msk [tilespmem:v2+s2+$0x0], $0xffff  }
0x35: {  	v5 =	vadd.s32 $0x1, v2;
	_ =	sdelay $0x3  }
0x36: {  	[tilespmem:v3+s7+$0x0] =	vst.idx.msk $0xffff, v4  }
0x37: {  	v61 =	vor.u32 $0x1, v3;
	v4 =	vld.idx.msk [tilespmem:v5+s2+$0x0], $0xffff  }
0x38: {  	v2 =	vadd.s32 $0x2, v2;
	_ =	sdelay $0x3  }
0x39: {  	[tilespmem:v61+s7+$0x0] =	vst.idx.msk $0xffff, v4  }
0x3a: {  	v62 =	vor.u32 $0x2, v3;
	v2 =	vld.idx.msk [tilespmem:v2+s2+$0x0], $0xffff  }
0x3b: {  	v63 =	vor.u32 $0x3, v3  }
0x3c: {  	v6 =	vor.u32 $0x4, v3  }
0x3d: {  	v7 =	vor.u32 $0x5, v3  }
0x3e: {  	v8 =	vor.u32 $0x6, v3  }
0x3f: {  	[tilespmem:v62+s7+$0x0] =	vst.idx.msk $0xffff, v2;
	v2 =	vor.u32 $0x7, v3  }
0x40: {  	[tilespmem:v63+s7+$0x0] =	vst.idx.msk $0xffff, v1  }
0x41: {  	[tilespmem:v6+s7+$0x0] =	vst.idx.msk $0xffff, v1  }
0x42: {  	s8 =	sadd.s32 $0x1, s8;
	[tilespmem:v7+s7+$0x0] =	vst.idx.msk $0xffff, v1  }
0x43: {  	p0 =	sne.s32 s8, s5;
	[tilespmem:v8+s7+$0x0] =	vst.idx.msk $0xffff, v1  }
.Ltmp1:
0x44: {  	[tilespmem:v2+s7+$0x0] =	vst.idx.msk $0xffff, v1;
	(pc) =	sbr.rel @p0 .LBB2_1-.Ltmp1, $4  }
0x45: {  	[hbm4b:s4+s2] =	stream.linear.scatter [tilespmem:s7], [sflag:$0x1], $0x6C00, $0x38;
	[tilespmem:$0x9480] =	vst v63  }
0x46: {  	_ =	swait.ge [sflag:s6], $0x6C00  }
0x47: {  	[sflag:s6] =	ssyncset.done $0x0  }
0x48: {  	[sflag:s6] =	ssyncadd.s32 $0xFFFF9400  }
0x49: {  	_ =	sfence.sel $0x180000  }
0x4a: {  	[bflag:$0x0] =	sbarrier.arrive $0xFFFF  }
0x4b: {  	p0 =	sne.s32 s0, $0x0;
	_ =	strace $0x90000047  }
0x4c: {  	s0 =	sadd.s32 @!p0 $0x100000, s1;
	[bflag:$0x2] =	sbarrier.arrive $0xFFFF  }
0x4d: {  	[sflag:s0] =	ssyncadd.tile.s32 @!p0 $0x1;
	_ =	shalt  }
.Lfunc_end2:
_tile_overlayer_lowered:
.L_overlay_start_2:
0x4e: {  	(tag) =	ssettag $0x2  }
0x4f: {  	s0 =	rddreg [dreg:$0x0];
	s2 =	stileid.u32  }
0x50: {  	s1 =	rddreg [dreg:$0x1];
	p0 =	sne.s32 s2, $0x0  }
0x51: {  	s3 =	rddreg [dreg:$0x2];
	[bflag:$0x3] =	sbarrier.arrive $0xFFFF;
	s2 =	simm.s32 @!p0 $0x1C01  }
0x52: {  	[timem:s3], [sflag:s2] =	dma.local @!p0 [hbm:s0], s1  }
0x53: {  	s0 =	simm.s32 @!p0 $0x1  }
0x54: {  	_ =	swait.ge @!p0 [sflag:s0], s1  }
0x55: {  	s1 =	ssub.s32 @!p0 $0x0, s1;
	[sflag:s0] =	ssyncset.done @!p0 $0x0  }
0x56: {  	[sflag:s0] =	ssyncadd.s32 @!p0 s1  }
0x57: {  	[bflag:$0x3] =	sbarrier.arrive $0xFFFF  }
0x58: {  	_ =	shalt  }

// kernel: kernel.8.cloned.1.call-start
scs
__scs_entry_jumppad:
0x0: {  	(pc) =	sbr.rel $0x88, $3  }
0x1: {  	(tag) =	ssettag $0x0;
	lr =	simm.s32 $0x1  }
0x2: {  	[smem:$0x3F9D] =	sst lr;
	_ =	strace $0xD0000000  }
0x3: {  	_ = 	snop  }
0x4: {  	_ = 	snop  }
0x5: {  	_ = 	snop  }
0x6: {  	_ = 	snop  }
0x7: {  	_ = 	snop  }
__scs_overlays_trampoline_lowered:
0x8: {  	[smem:$0x3FAC] =	sst s0  }
0x9: {  	[smem:$0x3FAD] =	sst s1  }
0xa: {  	[smem:$0x3FAE] =	sst s2  }
0xb: {  	[smem:$0x3FAF] =	sst s3  }
0xc: {  	[smem:$0x3FB0] =	sst s4  }
0xd: {  	[smem:$0x3FB1] =	sst s5  }
0xe: {  	[smem:$0x3FB2] =	sst s6  }
0xf: {  	[smem:$0x3FB3] =	sst s7  }
0x10: {  	[smem:$0x3FB4] =	sst s8  }
0x11: {  	[smem:$0x3FB5] =	sst s9;
	s0 =	simm.s32 @!p0 $0x0  }
0x12: {  	s1 =	sld [smem:$0x3F9B];
	s0 =	simm.s32 @p0 $0x1  }
0x13: {  	[smem:$0x3FB6] =	sst s0;
	s0 =	simm.s32 @!p1 $0x0  }
0x14: {  	s2 =	sld [smem:$0x3F9A];
	s0 =	simm.s32 @p1 $0x1  }
0x15: {  	[smem:$0x3FB7] =	sst s0;
	s0 =	simm.s32 @!p2 $0x0  }
0x16: {  	s3 =	sld [smem:$0x3FDB];
	s0 =	simm.s32 @p2 $0x1  }
0x17: {  	s4 =	simm.s32 $0x1BF5;
	[smem:$0x3FB9] =	sst s0  }
0x18: {  	s0 =	sld [smem:$0x3F9C];
	_ =	swait.ge [sflag:s4], $0x0  }
0x19: {  	s7 =	sld [smem:$0x3F9D]  }
0x1a: {  	s8 =	sadd.s32 $0xFFFFE003, lr  }
0x1b: {  	s9 =	sadd.s32 $0xFFFFFEF7, lr;
	s5 =	simm.s32 $0xFFFFFFFF;
	p2 =	slt.u32 s8, $0xFFFFF086  }
0x1c: {  	p1 =	slt.u32 s9, $0xF7A;
	s5 =	simm.s32 @!p2 $0x0  }
0x1d: {  	s5 =	simm.s32 @p1 $0x1;
	p0 =	seq.s32 s7, s2  }
0x1e: {  	s7 =	smul.u32 @!p0 $0xF7A, s2;
	p2 =	seq.s32 @!p0 s5, $0x0  }
0x1f: {  	s9 =	smul.u32 $0xF7A, s1;
	s8 =	simm.s32 @!p0 $0x1BF5;
	p2 =	por !p2, p0  }
0x20: {  	[sflag:s8] =	ssyncset.s32 @!p0 $0xFFFFF086;
	s6 =	sadd.s32 @!p0 s3, s7;
	s7 =	simm.s32 @!p0 $0x108  }
0x21: {  	s3 =	sadd.s32 s3, s9;
	s6 =	sadd.s32 @!p0 $0x88, s6;
	s7 =	simm.s32 @p2 $0x1082  }
0x22: {  	[simem:s7], [sflag:s8] =	dma.local @!p0 [hbm:s6], $0xF7A  }
0x23: {  	s9 =	sor.u32 $0xD0000000, s2;
	s6 =	simm.s32 $0x108;
	_ =	swait.ge @!p0 [sflag:s8], $0x0  }
0x24: {  	s3 =	sadd.s32 $0x88, s3;
	s6 =	simm.s32 @!p1 $0x1082;
	[sflag:s4] =	ssyncset.s32 $0xFFFFF086  }
0x25: {  	[simem:s6], [sflag:s4] =	dma.local [hbm:s3], $0xF7A  }
0x26: {  	[smem:$0x3F9D] =	sst s1;
	(tag) =	ssettag s2;
	_ =	strace s9  }
0x27: {  	s1 =	sld [smem:$0x3FAD]  }
0x28: {  	s2 =	sld [smem:$0x3FAE]  }
0x29: {  	s4 =	sld [smem:$0x3FB0]  }
0x2a: {  	p0 =	seq.s32 s5, $0x0;
	s5 =	sld [smem:$0x3FB1]  }
0x2b: {  	s6 =	sld [smem:$0x3FB2]  }
0x2c: {  	s7 =	sld [smem:$0x3FB3]  }
0x2d: {  	s3 =	simm.s32 $0x108;
	s8 =	sld [smem:$0x3FB4]  }
0x2e: {  	s3 =	simm.s32 @!p0 $0x1082;
	s9 =	sld [smem:$0x3FB5]  }
0x2f: {  	lr =	sadd.s32 s0, s3;
	s0 =	sld [smem:$0x3FAC]  }
0x30: {  	s3 =	sld [smem:$0x3FAF]  }
0x31: {  	[smem:$0x3FB8] =	sst s10  }
0x32: {  	s10 =	sld [smem:$0x3FB6];
	_ =	sdelay $0x3  }
0x33: {  	p0 =	seq.s32 s10, $0x1;
	s10 =	sld [smem:$0x3FB8];
	_ =	sdelay $0x3  }
0x34: {  	[smem:$0x3FB8] =	sst s10  }
0x35: {  	s10 =	sld [smem:$0x3FB7];
	_ =	sdelay $0x3  }
0x36: {  	p1 =	seq.s32 s10, $0x1;
	s10 =	sld [smem:$0x3FB8];
	_ =	sdelay $0x3  }
0x37: {  	[smem:$0x3FB8] =	sst s10  }
0x38: {  	s10 =	sld [smem:$0x3FB9]  }
0x39: {  	_ = 	snop;
	(pc) =	sbr.ind lr, $3  }
0x3a: {  	_ = 	snop  }
0x3b: {  	_ = 	snop  }
0x3c: {  	p2 =	seq.s32 s10, $0x1;
	s10 =	sld [smem:$0x3FB8]  }
0x3d: {  	_ =	shalt  }
0x3e: {  	_ =	shalt  }
0x3f: {  	_ =	shalt  }
0x40: {  	_ =	shalt  }
0x41: {  	_ =	shalt  }
0x42: {  	_ =	shalt  }
0x43: {  	_ =	shalt  }
0x44: {  	_ =	shalt  }
0x45: {  	_ =	shalt  }
0x46: {  	_ =	shalt  }
0x47: {  	_ =	shalt  }
0x48: {  	_ =	shalt  }
0x49: {  	_ =	shalt  }
0x4a: {  	_ =	shalt  }
0x4b: {  	_ =	shalt  }
0x4c: {  	_ =	shalt  }
0x4d: {  	_ =	shalt  }
0x4e: {  	_ =	shalt  }
0x4f: {  	_ =	shalt  }
0x50: {  	_ =	shalt  }
0x51: {  	_ =	shalt  }
0x52: {  	_ =	shalt  }
0x53: {  	_ =	shalt  }
0x54: {  	_ =	shalt  }
0x55: {  	_ =	shalt  }
0x56: {  	_ =	shalt  }
0x57: {  	_ =	shalt  }
0x58: {  	_ =	shalt  }
0x59: {  	_ =	shalt  }
0x5a: {  	_ =	shalt  }
0x5b: {  	_ =	shalt  }
0x5c: {  	_ =	shalt  }
0x5d: {  	_ =	shalt  }
0x5e: {  	_ =	shalt  }
0x5f: {  	_ =	shalt  }
0x60: {  	_ =	shalt  }
0x61: {  	_ =	shalt  }
0x62: {  	_ =	shalt  }
0x63: {  	_ =	shalt  }
0x64: {  	_ =	shalt  }
0x65: {  	_ =	shalt  }
0x66: {  	_ =	shalt  }
0x67: {  	_ =	shalt  }
0x68: {  	_ =	shalt  }
0x69: {  	_ =	shalt  }
0x6a: {  	_ =	shalt  }
0x6b: {  	_ =	shalt  }
0x6c: {  	_ =	shalt  }
0x6d: {  	_ =	shalt  }
0x6e: {  	_ =	shalt  }
0x6f: {  	_ =	shalt  }
0x70: {  	_ =	shalt  }
0x71: {  	_ =	shalt  }
0x72: {  	_ =	shalt  }
0x73: {  	_ =	shalt  }
0x74: {  	_ =	shalt  }
0x75: {  	_ =	shalt  }
0x76: {  	_ =	shalt  }
0x77: {  	_ =	shalt  }
0x78: {  	_ =	shalt  }
0x79: {  	_ =	shalt  }
0x7a: {  	_ =	shalt  }
0x7b: {  	_ =	shalt  }
0x7c: {  	_ =	shalt  }
0x7d: {  	_ =	shalt  }
0x7e: {  	_ =	shalt  }
0x7f: {  	_ =	shalt  }
0x80: {  	_ =	shalt  }
0x81: {  	_ =	shalt  }
0x82: {  	_ =	shalt  }
0x83: {  	_ =	shalt  }
0x84: {  	_ =	shalt  }
0x85: {  	_ =	shalt  }
0x86: {  	_ =	shalt  }
0x87: {  	_ =	shalt  }
.Lfunc_end0:
.L_simem_size_0:
called_computation.1_lowered:
.L_overlay_start_0:
0x88: {  	s2 =	sld [smem:$0x3FD9]  }
0x89: {  	s3 =	sld [smem:$0x3FFE];
	_ =	sdelay $0x1  }
0x8a: {  	s1 =	srdreg.scid  }
0x8b: {  	s0 =	sand.u32 $0x1, s1  }
0x8c: {  	s16 =	sshll.u32 s0, $0xA;
	s2 =	sadd.s32 s3, s2  }
0x8d: {  	s2 =	sadd.s32 s2, s16  }
0x8e: {  	[smem:$0x3FC4] =	sst s2  }
0x8f: {  	_ = 	snop  }
0x90: {  	(tm) =	ssettm $0x1  }
0x91: {  	s17 =	sld [smem:$0x3FFB];
	_ =	sdelay $0x3  }
0x92: {  	_ =	strace s17  }
0x93: {  	s2 =	sld [smem:$0x3FFC];
	_ =	sdelay $0x3  }
0x94: {  	_ =	strace s2  }
0x95: {  	s2 =	sld [smem:$0x3FFD];
	_ =	sdelay $0x3  }
0x96: {  	_ =	strace s2  }
0x97: {  	_ =	strace $0x8FFFFFFF  }
0x98: {  	s18 =	sld [smem:$0x3FDB];
	_ =	sdelay $0x1  }
0x99: {  	s19 =	simm.s32 $_scs_section_size  }
0x9a: {  	s4 =	simm.s32 $_size__tile_overlayer_lowered;
	s5 =	simm.s32 $_tile_overlayer_lowered  }
0x9b: {  	s22 =	simm.s32 $0x1BFF;
	s21 =	sshll.u32 s5, $0x1;
	s2 =	sadd.s32 s19, s18  }
0x9c: {  	s6 =	simm.s32 $0x0;
	s20 =	sshll.u32 s4, $0x1;
	s4 =	sadd.s32 s21, s2  }
0x9d: {  	[timem:s6], [sflag:s22] =	dma.local [hbm:s4], s20  }
0x9e: {  	_ =	swait.ge [sflag:s22], s20  }
0x9f: {  	s3 =	ssub.s32 $0x0, s20;
	[sflag:s22] =	ssyncset.done $0x0  }
0xa0: {  	[sflag:s22] =	ssyncadd.s32 s3;
	_ =	sdelay $0x1  }
0xa1: {  	s23 =	simm.s32 $0x1B8B  }
0xa2: {  	_ =	swait.ge [sflag:s23], $0x1  }
0xa3: {  	[sflag:s23] =	ssyncset.done $0x0  }
0xa4: {  	s25 =	simm.s32 $0x1B8E;
	s24 =	sld [smem:$0x3FFE];
	[sflag:s23] =	ssyncadd.s32 $0xFFFFFFFF  }
0xa5: {  	s26 =	simm.s32 $execute0_lowered;
	[smem:$0x3FD2] =	sst s25  }
0xa6: {  	s4 =	sshll.u32 s26, $0x1;
	_ =	strace $0x80000049;
	[dreg:$0x1] =	wrdreg $0xFFFFFFFF  }
0xa7: {  	s28 =	simm.s32 $_size_execute0_lowered;
	s2 =	sadd.s32 s2, s4;
	[dreg:$0x0] =	wrdreg $0x0  }
0xa8: {  	s4 =	sshll.u32 s28, $0x1;
	[dreg:$0x2] =	wrdreg s2  }
0xa9: {  	[dreg:$0x3] =	wrdreg s4  }
0xaa: {  	[dreg:$0x4] =	wrdreg $0xC0  }
0xab: {  	_ =	task [dreg:s6], $0x5FFFF  }
0xac: {  	[dreg:$0x1] =	wrdreg $0xFFFFFFFF  }
0xad: {  	[dreg:$0x0] =	wrdreg $0x60  }
0xae: {  	[dreg:$0x2] =	wrdreg s24  }
0xaf: {  	[dreg:$0x3] =	wrdreg $0x9  }
0xb0: {  	_ =	task.clear_ibuf [dreg:s6], $0x4FFFF;
	_ =	strace $0x90000049  }
0xb1: {  	s29 =	simm.s32 $0x9;
	_ =	strace $0x8000004B  }
0xb2: {  	_ =	swait.ge [sflag:s29], $0x1  }
0xb3: {  	[sflag:s29] =	ssyncadd.s32 $0xFFFFFFFF  }
0xb4: {  	_ =	strace $0x9000004B  }
0xb5: {  	_ =	sfence  }
0xb6: {  	s30 =	sld [smem:$0x0];
	_ =	sdelay $0x2  }
0xb7: {  	s31 =	sshll.u32 s1, $0xD;
	s1 =	sshrl.u32 s1, $0x2  }
0xb8: {  	s3 =	sand.u32 $0x4000, s31;
	s1 =	sadd.s32 s1, s30  }
0xb9: {  	s0 =	sor.u32 s3, s0;
	s1 =	sshll.u32 s1, $0x11  }
0xba: {  	s0 =	sor.u32 s1, s0  }
0xbb: {  	s0 =	sadd.s32 $0x8F2B, s0  }
0xbc: {  	[sflag:s0] =	ssyncadd.remote.s32 $0x1  }
0xbd: {  	_ =	sfence.sel $0xFFFF  }
0xbe: {  	[dreg:$0x0] =	wrdreg $0xFFFFFFFF;
	(pc) =	sbr.abs _section_cstart, $3  }
0xbf: {  	[dreg:$0x1] =	wrdreg $0xFFFFFFFF  }
0xc0: {  	_ =	task.clear_ibuf [dreg:s6], $0x2FFFF;
	_ =	strace $0x9FFFFFFF  }
0xc1: {  	(tm) =	ssettm $0x7FFFFFFF  }
tec
execute0_lowered:
.L_overlay_start_1:
0x0: {  	(tag) =	ssettag $0x1  }
0x1: {  	s0 =	srdreg.scid;
	s5 =	stileid.u32  }
0x2: {  	s6 =	rddreg [dreg:$0x0];
	s2 =	simm.s32 $0x0;
	s3 =	simm.s32 $0x1  }
0x3: {  	s9 =	simm.s32 $0x2;
	s10 =	simm.s32 $0x80;
	s18 =	simm.s32 $0x280  }
0x4: {  	s19 =	simm.s32 $0x1A40;
	s20 =	simm.s32 $0x300;
	s21 =	simm.s32 $0x1E40  }
0x5: {  	s22 =	simm.s32 $0x380;
	s23 =	simm.s32 $0x2240;
	s24 =	simm.s32 $0x400  }
0x6: {  	s25 =	simm.s32 $0x2640;
	s28 =	simm.s32 $0x2A40;
	s29 =	simm.s32 $0x500  }
0x7: {  	s30 =	simm.s32 $0x2E40;
	s0 =	sand.u32 $0x1, s0;
	s1 =	sshll.u32 s5, $0x1  }
0x8: {  	s31 =	simm.s32 $0x580;
	s11 =	simm.s32 $0x600;
	s1 =	sor.u32 s0, s1  }
0x9: {  	s12 =	simm.s32 $0x3640;
	p0 =	seq.s32 s0, $0x1;
	p1 =	seq.s32 s1, $0x0  }
0xa: {  	s13 =	simm.s32 $0xC80;
	s14 =	simm.s32 $0x3840;
	p1 =	por !p1, !p0  }
0xb: {  	s15 =	simm.s32 $0x0;
	s4 =	sshrl.u32 s5, $0x3;
	p1 =	por !p1, !p1  }
0xc: {  	[smem:$0x7FF] =	sst s2;
	s4 =	smul.u32 $0x32000, s4;
	s3 =	simm.s32 @!p1 $0x0  }
0xd: {  	_ =	strace $0x8000004A;
	s0 =	ssub.s32 $0x2, s0;
	s3 =	ssub.s32 s5, s3  }
0xe: {  	s1 =	smul.u32 $0xC8, s1;
	s5 =	simm.s32 $0x640;
	s3 =	sand.u32 $0x7, s3  }
0xf: {  	s26 =	sshrl.u32 s0, $0x1;
	s5 =	simm.s32 @!p0 $0x0;
	s7 =	smul.u32 $0x6400, s3  }
0x10: {  	s0 =	ssub.s32 s0, s26;
	s26 =	simm.s32 $0x480;
	s4 =	sor.u32 s5, s4  }
0x11: {  	s1 =	sadd.s32 s1, s6;
	s8 =	smax.u32 s0, $0x1;
	s5 =	sadd.s32 s7, s4  }
0x12: {  	s0 =	simm.s32 $0x40;
	s3 =	sadd.s32 $0xAA00, s6;
	s7 =	sshrl.u32 s5, $0x3  }
0x13: {  	v0 =	vlaneseq.u32;
	s4 =	simm.s32 $0x1;
	s5 =	simm.s32 $0x640;
	s7 =	sadd.s32 s7, s6  }
0x14: {  	v1 =	vimm.f32 $1.000000000e+00;
	v2 =	vimm.f32 $0.0e+00;
	v0 =	vmul.u32 $0x8, v0;
	s6 =	sadd.s32 $0x25A00, s1;
	s1 =	simm.s32 $0x3240;
	s7 =	sadd.s32 $0x27400, s7  }
.LBB2_1:
0x15: {  	[tilespmem:s2], [sflag:$0x2] =	stream.linear.gather [hbm4b:s6+s2], $0x640, $0x38;
	[tilespmem:$0x6A40] =	vst v63  }
0x16: {  	_ =	swait.ge [sflag:s9], $0x640  }
0x17: {  	[sflag:s9] =	ssyncset.done $0x0  }
0x18: {  	[sflag:s9] =	ssyncadd.s32 $0xFFFFF9C0  }
0x19: {  	[tilespmem:s5], [sflag:$0x1] =	stream.indirect.gather [hbm4b:s3+s10], $0x8, s2, s10, $0xb8;
	[tilespmem:$0x6A40] =	vst v63  }
0x1a: {  	s16 =	simm.s32 $0xA40  }
0x1b: {  	[tilespmem:s16], [sflag:$0x1] =	stream.indirect.gather [hbm4b:s3+s10], $0x8, s10, s10, $0xb8;
	[tilespmem:$0x6A40] =	vst v63  }
0x1c: {  	s17 =	simm.s32 $0xE40;
	s16 =	simm.s32 $0x100  }
0x1d: {  	[tilespmem:s17], [sflag:$0x1] =	stream.indirect.gather [hbm4b:s3+s10], $0x8, s16, s10, $0xb8;
	[tilespmem:$0x6A40] =	vst v63  }
0x1e: {  	s16 =	simm.s32 $0x180;
	s17 =	simm.s32 $0x1240  }
0x1f: {  	[tilespmem:s17], [sflag:$0x1] =	stream.indirect.gather [hbm4b:s3+s10], $0x8, s16, s10, $0xb8;
	[tilespmem:$0x6A40] =	vst v63  }
0x20: {  	s16 =	simm.s32 $0x200;
	s17 =	simm.s32 $0x1640  }
0x21: {  	[tilespmem:s17], [sflag:$0x1] =	stream.indirect.gather [hbm4b:s3+s10], $0x8, s16, s10, $0xb8;
	[tilespmem:$0x6A40] =	vst v63  }
0x22: {  	_ = 	snop  }
0x23: {  	[tilespmem:s19], [sflag:$0x1] =	stream.indirect.gather [hbm4b:s3+s10], $0x8, s18, s10, $0xb8;
	[tilespmem:$0x6A40] =	vst v63  }
0x24: {  	_ = 	snop  }
0x25: {  	[tilespmem:s21], [sflag:$0x1] =	stream.indirect.gather [hbm4b:s3+s10], $0x8, s20, s10, $0xb8;
	[tilespmem:$0x6A40] =	vst v63  }
0x26: {  	_ = 	snop  }
0x27: {  	[tilespmem:s23], [sflag:$0x1] =	stream.indirect.gather [hbm4b:s3+s10], $0x8, s22, s10, $0xb8;
	[tilespmem:$0x6A40] =	vst v63  }
0x28: {  	_ = 	snop  }
0x29: {  	[tilespmem:s25], [sflag:$0x1] =	stream.indirect.gather [hbm4b:s3+s10], $0x8, s24, s10, $0xb8;
	[tilespmem:$0x6A40] =	vst v63  }
0x2a: {  	_ = 	snop  }
0x2b: {  	[tilespmem:s28], [sflag:$0x1] =	stream.indirect.gather [hbm4b:s3+s10], $0x8, s26, s10, $0xb8;
	[tilespmem:$0x6A40] =	vst v63  }
0x2c: {  	_ = 	snop  }
0x2d: {  	[tilespmem:s30], [sflag:$0x1] =	stream.indirect.gather [hbm4b:s3+s10], $0x8, s29, s10, $0xb8;
	[tilespmem:$0x6A40] =	vst v63  }
0x2e: {  	_ = 	snop  }
0x2f: {  	[tilespmem:s1], [sflag:$0x1] =	stream.indirect.gather [hbm4b:s3+s10], $0x8, s31, s10, $0xb8;
	[tilespmem:$0x6A40] =	vst v63  }
0x30: {  	_ = 	snop  }
0x31: {  	[tilespmem:s12], [sflag:$0x1] =	stream.indirect.gather [hbm4b:s3+s0], $0x8, s11, s0, $0xb8;
	[tilespmem:$0x6A40] =	vst v63  }
0x32: {  	_ =	swait.ge [sflag:s4], $0x400  }
0x33: {  	[sflag:s4] =	ssyncset.done $0x0  }
0x34: {  	[sflag:s4] =	ssyncadd.s32 $0xFFFFFC00  }
0x35: {  	_ =	swait.ge [sflag:s4], $0x400  }
0x36: {  	[sflag:s4] =	ssyncset.done $0x0  }
0x37: {  	[sflag:s4] =	ssyncadd.s32 $0xFFFFFC00  }
0x38: {  	_ =	swait.ge [sflag:s4], $0x400  }
0x39: {  	[sflag:s4] =	ssyncset.done $0x0  }
0x3a: {  	[sflag:s4] =	ssyncadd.s32 $0xFFFFFC00  }
0x3b: {  	_ =	swait.ge [sflag:s4], $0x400  }
0x3c: {  	[sflag:s4] =	ssyncset.done $0x0  }
0x3d: {  	[sflag:s4] =	ssyncadd.s32 $0xFFFFFC00  }
0x3e: {  	_ =	swait.ge [sflag:s4], $0x400  }
0x3f: {  	[sflag:s4] =	ssyncset.done $0x0  }
0x40: {  	[sflag:s4] =	ssyncadd.s32 $0xFFFFFC00  }
0x41: {  	_ =	swait.ge [sflag:s4], $0x400  }
0x42: {  	[sflag:s4] =	ssyncset.done $0x0  }
0x43: {  	[sflag:s4] =	ssyncadd.s32 $0xFFFFFC00  }
0x44: {  	_ =	swait.ge [sflag:s4], $0x400  }
0x45: {  	[sflag:s4] =	ssyncset.done $0x0  }
0x46: {  	[sflag:s4] =	ssyncadd.s32 $0xFFFFFC00  }
0x47: {  	_ =	swait.ge [sflag:s4], $0x400  }
0x48: {  	[sflag:s4] =	ssyncset.done $0x0  }
0x49: {  	[sflag:s4] =	ssyncadd.s32 $0xFFFFFC00  }
0x4a: {  	_ =	swait.ge [sflag:s4], $0x400  }
0x4b: {  	[sflag:s4] =	ssyncset.done $0x0  }
0x4c: {  	[sflag:s4] =	ssyncadd.s32 $0xFFFFFC00  }
0x4d: {  	_ =	swait.ge [sflag:s4], $0x400  }
0x4e: {  	[sflag:s4] =	ssyncset.done $0x0  }
0x4f: {  	[sflag:s4] =	ssyncadd.s32 $0xFFFFFC00  }
0x50: {  	_ =	swait.ge [sflag:s4], $0x400  }
0x51: {  	[sflag:s4] =	ssyncset.done $0x0  }
0x52: {  	v3 =	vmov s2;
	[sflag:s4] =	ssyncadd.s32 $0xFFFFFC00  }
0x53: {  	v3 =	vshll.u32 v3, $0x3;
	_ =	swait.ge [sflag:s4], $0x400  }
0x54: {  	v3 =	vor.u32 v0, v3;
	[sflag:s4] =	ssyncset.done $0x0  }
0x55: {  	v4 =	vor.u32 $0x1, v3;
	[sflag:s4] =	ssyncadd.s32 $0xFFFFFC00  }
0x56: {  	v5 =	vor.u32 $0x2, v3;
	_ =	swait.ge [sflag:s4], $0x200  }
0x57: {  	[sflag:s4] =	ssyncset.done $0x0  }
0x58: {  	[sflag:s4] =	ssyncadd.s32 $0xFFFFFE00  }
0x59: {  	v6 =	vld.idx.msk [tilespmem:v3+s5+$0x0], $0xffff  }
0x5a: {  	s16 =	simm.s32 $0x5140;
	v7 =	vld.idx.msk [tilespmem:v4+s5+$0x0], $0xffff  }
0x5b: {  	v3 =	vld.idx.msk [tilespmem:v5+s5+$0x0], $0xffff;
	[tilespmem:s16+$0x640] =	vst v2  }
0x5c: {  	[tilespmem:s16+$0xC80] =	vst v2  }
0x5d: {  	[tilespmem:s16+$0xFFFFF9C0] =	vst v1  }
0x5e: {  	s17 =	simm.s32 $0x10;
	[tilespmem:s16+$0xFFFFE700] =	vst v6  }
0x5f: {  	v5 =	vmov s17;
	s17 =	simm.s32 $0x20;
	[tilespmem:s16+$0xFFFFED40] =	vst v7;
	v4 =	vmul.f32 v6, v6;
	v6 =	vmul.f32 v7, v7  }
.LBB2_2:
0x60: {  	p0 =	sne.s32 s17, $0x630;
	v5 =	vshll.u32 v5, $0x3;
	[tilespmem:s16+$0x12C0] =	vst v2  }
0x61: {  	v5 =	vor.u32 v0, v5;
	[tilespmem:s16+$0xFFFFF380] =	vst v3;
	v4 =	vadd.f32 v6, v4;
	v3 =	vmul.f32 v3, v3  }
0x62: {  	v6 =	vor.u32 $0x1, v5  }
0x63: {  	v3 =	vadd.f32 v3, v4  }
0x64: {  	v4 =	vor.u32 $0x2, v5  }
0x65: {  	[tilespmem:s16+$0x0] =	vst v3  }
0x66: {  	v7 =	vld.idx.msk [tilespmem:v5+s5+$0x0], $0xffff  }
0x67: {  	v6 =	vld.idx.msk [tilespmem:v6+s5+$0x0], $0xffff  }
0x68: {  	s16 =	sadd.s32 $0x10, s16  }
.Ltmp0:
0x69: {  	v3 =	vld.idx.msk [tilespmem:v4+s5+$0x0], $0xffff;
	[tilespmem:s16+$0x640] =	vst v2;
	(pc) =	sbr.rel @p0 .LBB2_2-.Ltmp0, $4  }
0x6a: {  	[tilespmem:s16+$0xC80] =	vst v2  }
0x6b: {  	[tilespmem:s16+$0xFFFFF9C0] =	vst v1  }
0x6c: {  	[tilespmem:s16+$0xFFFFE700] =	vst v7  }
0x6d: {  	v5 =	vmov s17;
	s17 =	sadd.s32 $0x10, s17;
	v4 =	vmul.f32 v7, v7;
	[tilespmem:s16+$0xFFFFED40] =	vst v6;
	v6 =	vmul.f32 v6, v6  }
0x6e: {  	v5 =	vshll.u32 v5, $0x3  }
0x6f: {  	v60 =	vmul.f32 v3, v3;
	v5 =	vor.u32 v0, v5;
	v4 =	vadd.f32 v6, v4  }
0x70: {  	v7 =	vor.u32 $0x1, v5  }
0x71: {  	[tilespmem:s16+$0x12C0] =	vst v2;
	v4 =	vadd.f32 v60, v4  }
0x72: {  	[tilespmem:s16+$0xFFFFF380] =	vst v3;
	v3 =	vor.u32 $0x2, v5  }
0x73: {  	[tilespmem:s16+$0x0] =	vst v4  }
0x74: {  	v4 =	vld.idx.msk [tilespmem:v5+s5+$0x0], $0xffff  }
0x75: {  	v61 =	vld.idx.msk [tilespmem:v7+s5+$0x0], $0xffff;
	_ =	sdelay $0x1  }
0x76: {  	v3 =	vld.idx.msk [tilespmem:v3+s5+$0x0], $0xffff  }
0x77: {  	s17 =	sadd.s32 $0x10, s16  }
0x78: {  	[tilespmem:s17+$0x640] =	vst v2  }
0x79: {  	[tilespmem:s17+$0xFFFFE700] =	vst v4;
	v4 =	vmul.f32 v4, v4;
	v62 =	vmul.f32 v61, v61  }
0x7a: {  	[tilespmem:s17+$0xC80] =	vst v2  }
0x7b: {  	[tilespmem:s17+$0xFFFFF9C0] =	vst v1;
	v63 =	vmul.f32 v3, v3;
	v4 =	vadd.f32 v62, v4  }
0x7c: {  	[tilespmem:s17+$0x12C0] =	vst v2  }
0x7d: {  	s15 =	sadd.s32 $0x1, s15;
	[tilespmem:s17+$0xFFFFED40] =	vst v61;
	v4 =	vadd.f32 v63, v4  }
0x7e: {  	p0 =	sne.s32 s15, s8;
	[tilespmem:s17+$0xFFFFF380] =	vst v3  }
.Ltmp1:
0x7f: {  	[tilespmem:s17+$0x0] =	vst v4;
	(pc) =	sbr.rel @p0 .LBB2_1-.Ltmp1, $4  }
0x80: {  	[hbm4b:s7+s5] =	stream.strided.scatter [tilespmem:s14], [sflag:$0x2], $0x3200, s13, s5, $0x38;
	[tilespmem:$0x6A40] =	vst v63  }
0x81: {  	_ =	swait.ge [sflag:s9], $0x3200  }
0x82: {  	[sflag:s9] =	ssyncset.done $0x0  }
0x83: {  	[sflag:s9] =	ssyncadd.s32 $0xFFFFCE00  }
0x84: {  	_ =	sfence.sel $0x180000  }
0x85: {  	[bflag:$0x0] =	sbarrier.arrive $0xFFFF  }
0x86: {  	_ =	strace $0x9000004A  }
0x87: {  	s0 =	stileid.u32;
	[bflag:$0x2] =	sbarrier.arrive $0xFFFF  }
0x88: {  	p0 =	sne.s32 s0, $0x0;
	s0 =	rddreg [dreg:$0x1]  }
0x89: {  	s0 =	sadd.s32 @!p0 $0x100000, s0  }
0x8a: {  	[sflag:s0] =	ssyncadd.tile.s32 @!p0 $0x1;
	_ =	shalt  }
.Lfunc_end2:
_tile_overlayer_lowered:
.L_overlay_start_2:
0x8b: {  	(tag) =	ssettag $0x2  }
0x8c: {  	s0 =	rddreg [dreg:$0x0];
	s2 =	stileid.u32  }
0x8d: {  	s1 =	rddreg [dreg:$0x1];
	p0 =	sne.s32 s2, $0x0  }
0x8e: {  	s3 =	rddreg [dreg:$0x2];
	[bflag:$0x3] =	sbarrier.arrive $0xFFFF;
	s2 =	simm.s32 @!p0 $0x1C02  }
0x8f: {  	[timem:s3], [sflag:s2] =	dma.local @!p0 [hbm:s0], s1  }
0x90: {  	s0 =	simm.s32 @!p0 $0x2  }
0x91: {  	_ =	swait.ge @!p0 [sflag:s0], s1  }
0x92: {  	s1 =	ssub.s32 @!p0 $0x0, s1;
	[sflag:s0] =	ssyncset.done @!p0 $0x0  }
0x93: {  	[sflag:s0] =	ssyncadd.s32 @!p0 s1  }
0x94: {  	[bflag:$0x3] =	sbarrier.arrive $0xFFFF  }
0x95: {  	_ =	shalt  }

</sc_bundles>
